<compile_context>
chip_gen: v7x
topology: tpu7x:2x2x1
jax: 0.10.2.dev20260603
libtpu: 0.0.44.dev20260713+nightly
codegen_flags: <defaults>
</compile_context>

<pallas_src>
import functools

import jax
import jax.numpy as jnp
from jax import lax
from jax.experimental import pallas as pl
from jax.experimental.pallas import tpu as pltpu
from jax.experimental.pallas import tpu_sc as plsc

N = 100000
E = 1600000
ERM = 13
NRM = 3
RS = 6.0
INV_W = 5.0

NC, NS, L = 2, 16, 16
NW = NC * NS

EC = 1280
EC2 = 2 * EC
N_ECHUNK = E // EC
EGROUPS = EC // L
NODE_CHUNK = 2000
N_NCHUNK = N // NODE_CHUNK
NGROUPS = NODE_CHUNK // L

LN2 = 0.6931471805599453


def _ln16(x):
    ib = plsc.bitcast(x, jnp.int32)
    ex = jnp.right_shift(ib, 23) - 127
    m = plsc.bitcast(
        jnp.bitwise_or(jnp.bitwise_and(ib, 0x007FFFFF), 0x3F800000),
        jnp.float32)
    big = m > 1.4142135381698608
    m = jnp.where(big, m * 0.5, m)
    exf = (ex + jnp.where(big, 1, 0)).astype(jnp.float32)
    s = (m - 1.0) / (m + 1.0)
    s2 = s * s
    lnm = s * (2.0 + s2 * (0.66666666666 + s2 * (0.4 + s2 * 0.2857142857)))
    return exf * LN2 + lnm


def _body(table_hbm, src_hbm, dst_hbm, hop_hbm, bl_hbm, az_hbm, ons_hbm,
          eout_hbm, nout_hbm,
          sraw, draw, sidxe, guard_s, didxe, guard_d, srows, drows,
          eoutv, hopv, blv, lnr0v, onsv, azv, noutv, sem_s, sem_d):
    wid = lax.axis_index("s") * NC + lax.axis_index("c")
    iota = lax.iota(jnp.int32, L)

    pltpu.sync_copy(hop_hbm, hopv)
    pltpu.sync_copy(bl_hbm, blv)
    pltpu.sync_copy(ons_hbm, onsv)


    def ginit(j, carry):
        big = jnp.full((L,), 0x7FFFFFF0, jnp.int32)
        guard_s[pl.ds(j * L, L)] = big
        guard_d[pl.ds(j * L, L)] = big
        return carry

    lax.fori_loop(0, EC2 // L, ginit, 0)

    zi_pat = jnp.where(iota >= 2, 1, 0)
    zj_pat = jnp.where(iota >= 1, 1, 0)
    r0v = 0.5 * (plsc.load_gather(blv, [zi_pat]) +
                 plsc.load_gather(blv, [zj_pat]))
    lnr0v[pl.ds(0, L)] = _ln16(r0v)

    def expand(j, carry):
        pos2 = (j * L + iota) * 2
        plsc.store_scatter(sidxe, [pos2], sraw[pl.ds(j * L, L)] * 2)
        plsc.store_scatter(didxe, [pos2], draw[pl.ds(j * L, L)] * 2)
        return carry

    def egroup(j):
        rowi = j * L + iota
        c0 = jnp.full((L,), 0, jnp.int32)
        sx = plsc.load_gather(srows, [rowi, c0])
        sy = plsc.load_gather(srows, [rowi, c0 + 1])
        sz = plsc.load_gather(srows, [rowi, c0 + 2])
        sw = plsc.load_gather(srows, [rowi, c0 + 3])
        dx = plsc.load_gather(drows, [rowi, c0])
        dy = plsc.load_gather(drows, [rowi, c0 + 1])
        dz = plsc.load_gather(drows, [rowi, c0 + 2])
        dw = plsc.load_gather(drows, [rowi, c0 + 3])
        vx = dx - sx
        vy = dy - sy
        vz = dz - sz
        d2 = vx * vx + vy * vy + vz * vz + 1e-12
        ib = plsc.bitcast(d2, jnp.int32)
        y = plsc.bitcast(0x5F3759DF - jnp.right_shift(ib, 1), jnp.float32)
        hx = 0.5 * d2
        y = y * (1.5 - hx * y * y)
        y = y * (1.5 - hx * y * y)
        y = y * (1.5 - hx * y * y)
        rij = d2 * y
        ln_d2 = _ln16(d2)
        bidx = (sw + dw).astype(jnp.int32)
        lnr0 = plsc.load_gather(lnr0v, [bidx])
        lnratio = lnr0 - 0.5 * ln_d2
        t = jnp.minimum((rij - RS) * INV_W, 85.0)
        fc = 1.0 / (1.0 + jnp.exp(t))
        b26 = bidx * 26
        for m in range(ERM):
            a = plsc.load_gather(hopv, [b26 + (2 * m)])
            b = plsc.load_gather(hopv, [b26 + (2 * m + 1)])
            p = jnp.exp(lnratio * (1.0 + b))
            plsc.store_scatter(eoutv, [rowi, c0 + m], a * p * fc)

    def echunk(i, carry):
        c = wid + i * NW
        base = c * EC
        pltpu.sync_copy(src_hbm.at[pl.ds(base, EC)], sraw)
        pltpu.sync_copy(dst_hbm.at[pl.ds(base, EC)], draw)
        lax.fori_loop(0, EGROUPS, expand, 0)
        cp_s = pltpu.async_copy(table_hbm.at[sidxe], srows, sem_s)
        cp_d = pltpu.async_copy(table_hbm.at[didxe], drows, sem_d)
        cp_s.wait()
        cp_d.wait()

        def eone(jj, carry):
            egroup(jj)
            return carry

        lax.fori_loop(0, EGROUPS, eone, 0)
        pltpu.sync_copy(eoutv, eout_hbm.at[pl.ds(base, EC)])
        return carry

    n_ec = (N_ECHUNK - wid + NW - 1) // NW
    lax.fori_loop(0, n_ec, echunk, 0)

    def ngroup(j, carry):
        rowi = j * L + iota
        az = azv[pl.ds(j * L, L)]
        a3 = az * NRM
        c0 = jnp.full((L,), 0, jnp.int32)
        for m in range(NRM):
            v = plsc.load_gather(onsv, [a3 + m])
            plsc.store_scatter(noutv, [rowi, c0 + m], v)
        return carry

    def nchunk(i, carry):
        c = wid + i * NW
        base = c * NODE_CHUNK
        pltpu.sync_copy(az_hbm.at[pl.ds(base, NODE_CHUNK)], azv)
        lax.fori_loop(0, NGROUPS, ngroup, 0)
        pltpu.sync_copy(noutv, nout_hbm.at[pl.ds(base, NODE_CHUNK)])
        return carry

    n_nc = (N_NCHUNK - wid + NW - 1) // NW
    lax.fori_loop(0, n_nc, nchunk, 0)


_mesh = plsc.VectorSubcoreMesh(
    core_axis_name="c", subcore_axis_name="s", num_cores=NC, num_subcores=NS)

_sc_call = pl.kernel(
    _body,
    out_type=(
        jax.ShapeDtypeStruct((E, ERM), jnp.float32),
        jax.ShapeDtypeStruct((N, NRM), jnp.float32),
    ),
    mesh=_mesh,
    compiler_params=pltpu.CompilerParams(
        needs_layout_passes=False, use_tc_tiling_on_sc=False),
    scratch_types=[
        pltpu.VMEM((EC,), jnp.int32),
        pltpu.VMEM((EC,), jnp.int32),
        pltpu.VMEM((EC2,), jnp.int32),
        pltpu.VMEM((EC2,), jnp.int32),
        pltpu.VMEM((EC2,), jnp.int32),
        pltpu.VMEM((EC2,), jnp.int32),
        pltpu.VMEM((EC2, 4), jnp.float32),
        pltpu.VMEM((EC2, 4), jnp.float32),
        pltpu.VMEM((EC, ERM), jnp.float32),
        pltpu.VMEM((128,), jnp.float32),
        pltpu.VMEM((128,), jnp.float32),
        pltpu.VMEM((128,), jnp.float32),
        pltpu.VMEM((128,), jnp.float32),
        pltpu.VMEM((NODE_CHUNK,), jnp.int32),
        pltpu.VMEM((NODE_CHUNK, NRM), jnp.float32),
        pltpu.SemaphoreType.DMA,
        pltpu.SemaphoreType.DMA,
    ],
)


def kernel(positions, hopping_param, onsite_param, bond_length,
           atomic_numbers, edge_index):
    node_table = jnp.concatenate(
        [positions, atomic_numbers.astype(jnp.float32)[:, None]], axis=1)

    def _pad128(x):
        return jnp.concatenate(
            [x, jnp.zeros((128 - x.shape[0],), x.dtype)])

    edge_feats, node_feats = _sc_call(
        node_table,
        edge_index[0],
        edge_index[1],
        _pad128(hopping_param.reshape(-1)),
        _pad128(bond_length),
        atomic_numbers,
        _pad128(onsite_param.reshape(-1)),
    )
    return edge_feats, node_feats

# --- scband reference (transcript-rebuilt; emitter-appended) ---
"""Pipeline reference for scband-nnsk-39685497815885 (READ-ONLY COPY).

The authoritative reference and input builder live on the scoring server;
editing this copy changes nothing except your own understanding.
"""

import jax, jax.numpy as jnp
import numpy as np

N = 100000          # nodes (atoms)
E = 1600000         # edges (bonds)
NAT = 2             # atom types (Si, O)
NBT = 3             # reduced bond types: Si-Si, Si-O, O-O
ERM = 13            # edge_reduced_matrix_element (sp basis SK integrals)
NP = 2              # powerlaw num_paras (alpha, exponent)
NRM = 3             # node_reduced_matrix_element (s, p onsite energies)
RS = 6.0            # hopping cutoff rs
W = 0.2             # cutoff smoothing width w


def setup_inputs(seed: int = 0) -> dict:
    key = jax.random.key(seed)
    k1, k2, k3, k4, k5 = jax.random.split(key, 5)
    positions = jax.random.normal(k1, (N, 3), dtype=jnp.float32) * 5.0
    atomic_numbers = jax.random.randint(k2, (N,), 0, NAT, dtype=jnp.int32)
    edge_index = jax.random.randint(k3, (2, E), 0, N, dtype=jnp.int32)
    # learned parameters (per NNSK.__init__)
    hopping_param = jax.random.normal(k4, (NBT, ERM, NP), dtype=jnp.float32) * 0.1
    onsite_param = jax.random.normal(k5, (NAT, NRM), dtype=jnp.float32)
    bond_length = jnp.array([2.35, 1.52], dtype=jnp.float32)  # bond_length_list per type
    return {
        "positions": positions,
        "hopping_param": hopping_param,
        "onsite_param": onsite_param,
        "bond_length": bond_length,
        "atomic_numbers": atomic_numbers,
        "edge_index": edge_index,
    }


def reference(positions, hopping_param, onsite_param, bond_length, atomic_numbers, edge_index):
    src = edge_index[0]
    dst = edge_index[1]
    # AtomicDataDict.with_edge_vectors(data, with_lengths=True)
    vec = positions[dst] - positions[src]
    rij = jnp.sqrt(jnp.sum(vec * vec, axis=-1) + 1e-12)  # [E]
    # edge_number = atomic_numbers[edge_index]
    zi = atomic_numbers[src]
    zj = atomic_numbers[dst]
    # idp.transform_reduced_bond: symmetric (type_i, type_j) -> reduced bond type
    bond_map = jnp.array([[0, 1], [1, 2]], dtype=jnp.int32)
    bidx = bond_map[zi, zj]  # [E]
    # r0 = 0.5 * (bond_length[zi] + bond_length[zj])
    r0 = 0.5 * (bond_length[zi] + bond_length[zj])  # [E]
    # paraArray = hopping_param[edge_index]  (gather per-edge SK parameters)
    params = hopping_param[bidx]           # [E, ERM, 2]
    alpha = params[..., 0]                  # [E, ERM]
    beta = params[..., 1]                   # [E, ERM]
    # HoppingFormula powerlaw: h_ij = alpha * (r0/rij)^(1+beta) * fcut(rij)
    ratio = (r0 / rij)[:, None]             # [E, 1]
    fcut = (1.0 / (1.0 + jnp.exp((rij - RS) / W)))[:, None]  # [E, 1]
    edge_features = alpha * jnp.power(ratio, 1.0 + beta) * fcut  # [E, ERM]
    # OnsiteFormula 'none': onsite energies looked up per atom type
    node_features = onsite_param[atomic_numbers]  # [N, NRM]
    return edge_features, node_features

if __name__ == "__main__":
    import jax
    _d = setup_inputs()
    print(jax.jit(kernel)(*tuple(_d.values())))

</pallas_src>

<mosaic_0001>
#map = affine_map<(d0, d1) -> (0, 0)>
#map1 = affine_map<(d0, d1) -> (0)>
module attributes {stable_mosaic.version = 14 : i64} {
  func.func @_body(%arg0: i32, %arg1: i32, %arg2: memref<100000x4xf32, #tpu.memory_space<hbm>>, %arg3: memref<1600000xi32, #tpu.memory_space<hbm>>, %arg4: memref<1600000xi32, #tpu.memory_space<hbm>>, %arg5: memref<128xf32, #tpu.memory_space<hbm>>, %arg6: memref<128xf32, #tpu.memory_space<hbm>>, %arg7: memref<100000xi32, #tpu.memory_space<hbm>>, %arg8: memref<128xf32, #tpu.memory_space<hbm>>, %arg9: memref<1600000x13xf32, #tpu.memory_space<hbm>>, %arg10: memref<100000x3xf32, #tpu.memory_space<hbm>>, %arg11: memref<1280xi32, #tpu.memory_space<vmem>>, %arg12: memref<1280xi32, #tpu.memory_space<vmem>>, %arg13: memref<2560xi32, #tpu.memory_space<vmem>>, %arg14: memref<2560xi32, #tpu.memory_space<vmem>>, %arg15: memref<2560xi32, #tpu.memory_space<vmem>>, %arg16: memref<2560xi32, #tpu.memory_space<vmem>>, %arg17: memref<2560x4xf32, #tpu.memory_space<vmem>>, %arg18: memref<2560x4xf32, #tpu.memory_space<vmem>>, %arg19: memref<1280x13xf32, #tpu.memory_space<vmem>>, %arg20: memref<128xf32, #tpu.memory_space<vmem>>, %arg21: memref<128xf32, #tpu.memory_space<vmem>>, %arg22: memref<128xf32, #tpu.memory_space<vmem>>, %arg23: memref<128xf32, #tpu.memory_space<vmem>>, %arg24: memref<2000xi32, #tpu.memory_space<vmem>>, %arg25: memref<2000x3xf32, #tpu.memory_space<vmem>>, %arg26: memref<!tpu.dma_semaphore, #tpu.memory_space<semaphore_mem>>, %arg27: memref<!tpu.dma_semaphore, #tpu.memory_space<semaphore_mem>>) attributes {dimension_semantics = [#tpu.dimension_semantics<core_parallel>, #tpu.dimension_semantics<subcore_parallel>], iteration_bounds = array<i64: 2, 16>, scalar_prefetch = 0 : i64, scratch_operands = 17 : i64, tpu.core_type = #tpu.core_type<sc_vector_subcore>, window_params = [{transform_indices = #map}, {transform_indices = #map1}, {transform_indices = #map1}, {transform_indices = #map1}, {transform_indices = #map1}, {transform_indices = #map1}, {transform_indices = #map1}, {transform_indices = #map}, {transform_indices = #map}]} {
    %mul3A = arith.constant 2 : i32
    %mul3A_0 = arith.muli %arg1, %mul3A : i32
    %add3A = arith.addi %mul3A_0, %arg0 : i32
    %iota3A = tpu.iota {dimensions = array<i32: 0>} : vector<16xi32>
    "tpu.region"() ({
      %run_scoped3A = tpu.sem_alloc : memref<!tpu.dma_semaphore, #tpu.memory_space<semaphore_mem>>
      tpu.enqueue_dma source(%arg5 : memref<128xf32, #tpu.memory_space<hbm>>) target(%arg20 : memref<128xf32, #tpu.memory_space<vmem>>) target_semaphore(%run_scoped3A : memref<!tpu.dma_semaphore, #tpu.memory_space<semaphore_mem>>)
      tpu.wait_dma2 semaphore(%run_scoped3A : memref<!tpu.dma_semaphore, #tpu.memory_space<semaphore_mem>>) src(%arg5 : memref<128xf32, #tpu.memory_space<hbm>>) dst(%arg20 : memref<128xf32, #tpu.memory_space<vmem>>)
      tpu.yield
    }) : () -> ()
    "tpu.region"() ({
      %run_scoped3A = tpu.sem_alloc : memref<!tpu.dma_semaphore, #tpu.memory_space<semaphore_mem>>
      tpu.enqueue_dma source(%arg6 : memref<128xf32, #tpu.memory_space<hbm>>) target(%arg21 : memref<128xf32, #tpu.memory_space<vmem>>) target_semaphore(%run_scoped3A : memref<!tpu.dma_semaphore, #tpu.memory_space<semaphore_mem>>)
      tpu.wait_dma2 semaphore(%run_scoped3A : memref<!tpu.dma_semaphore, #tpu.memory_space<semaphore_mem>>) src(%arg6 : memref<128xf32, #tpu.memory_space<hbm>>) dst(%arg21 : memref<128xf32, #tpu.memory_space<vmem>>)
      tpu.yield
    }) : () -> ()
    "tpu.region"() ({
      %run_scoped3A = tpu.sem_alloc : memref<!tpu.dma_semaphore, #tpu.memory_space<semaphore_mem>>
      tpu.enqueue_dma source(%arg8 : memref<128xf32, #tpu.memory_space<hbm>>) target(%arg23 : memref<128xf32, #tpu.memory_space<vmem>>) target_semaphore(%run_scoped3A : memref<!tpu.dma_semaphore, #tpu.memory_space<semaphore_mem>>)
      tpu.wait_dma2 semaphore(%run_scoped3A : memref<!tpu.dma_semaphore, #tpu.memory_space<semaphore_mem>>) src(%arg8 : memref<128xf32, #tpu.memory_space<hbm>>) dst(%arg23 : memref<128xf32, #tpu.memory_space<vmem>>)
      tpu.yield
    }) : () -> ()
    %scan3A = arith.constant 0 : i32
    %scan3A_1 = arith.constant 0 : i32
    %scan3A_2 = arith.constant 160 : i32
    %scan3A_3 = arith.addi %scan3A_1, %scan3A_2 : i32
    %scan3A_4 = arith.constant 1 : i32
    scf.for %scan3A_147 = %scan3A_1 to %scan3A_3 step %scan3A_4  : i32 {
      %broadcast_in_dim3A_148 = arith.constant 2147483632 : i32
      %broadcast_in_dim3A_149 = vector.broadcast %broadcast_in_dim3A_148 : i32 to vector<16xi32>
      %mul3A_150 = arith.constant 16 : i32
      %mul3A_151 = arith.muli %scan3A_147, %mul3A_150 : i32
      %swap3A_152 = arith.index_cast %mul3A_151 : i32 to index
      %swap3A_153 = tpu.vector_load %arg14[%swap3A_152] {strides = array<i32>} : memref<2560xi32, #tpu.memory_space<vmem>>, vector<16xi32>,
      tpu.vector_store %arg14[%swap3A_152], %broadcast_in_dim3A_149 {strides = array<i32>} : memref<2560xi32, #tpu.memory_space<vmem>>, vector<16xi32>,
      %mul3A_154 = arith.constant 16 : i32
      %mul3A_155 = arith.muli %scan3A_147, %mul3A_154 : i32
      %swap3A_156 = arith.index_cast %mul3A_155 : i32 to index
      %swap3A_157 = tpu.vector_load %arg16[%swap3A_156] {strides = array<i32>} : memref<2560xi32, #tpu.memory_space<vmem>>, vector<16xi32>,
      tpu.vector_store %arg16[%swap3A_156], %broadcast_in_dim3A_149 {strides = array<i32>} : memref<2560xi32, #tpu.memory_space<vmem>>, vector<16xi32>,
    }
    %scan3A_5 = arith.constant 160 : i32
    %ge3A = arith.constant 2 : i32
    %ge3A_6 = vector.broadcast %ge3A : i32 to vector<16xi32>
    %ge3A_7 = arith.cmpi sge, %iota3A, %ge3A_6 : vector<16xi32>
    %jit3A = arith.constant 1 : i32
    %jit3A_8 = arith.constant 0 : i32
    %broadcast_in_dim3A = vector.broadcast %jit3A : i32 to vector<16xi32>
    %broadcast_in_dim3A_9 = vector.broadcast %jit3A_8 : i32 to vector<16xi32>
    %select_n3A = arith.select %ge3A_7, %broadcast_in_dim3A, %broadcast_in_dim3A_9 : vector<16xi1>, vector<16xi32>
    %ge3A_10 = arith.constant 1 : i32
    %ge3A_11 = vector.broadcast %ge3A_10 : i32 to vector<16xi32>
    %ge3A_12 = arith.cmpi sge, %iota3A, %ge3A_11 : vector<16xi32>
    %jit3A_13 = arith.constant 1 : i32
    %jit3A_14 = arith.constant 0 : i32
    %broadcast_in_dim3A_15 = vector.broadcast %jit3A_13 : i32 to vector<16xi32>
    %broadcast_in_dim3A_16 = vector.broadcast %jit3A_14 : i32 to vector<16xi32>
    %select_n3A_17 = arith.select %ge3A_12, %broadcast_in_dim3A_15, %broadcast_in_dim3A_16 : vector<16xi1>, vector<16xi32>
    %gather3A = tpu.vector_load_idx %arg21[%select_n3A] : memref<128xf32, #tpu.memory_space<vmem>>[vector<16xi32>], vector<16xf32>,
    %gather3A_18 = tpu.vector_load_idx %arg21[%select_n3A_17] : memref<128xf32, #tpu.memory_space<vmem>>[vector<16xi32>], vector<16xf32>,
    %add3A_19 = arith.addf %gather3A, %gather3A_18 : vector<16xf32>
    %mul3A_20 = arith.constant 5.000000e-01 : f32
    %mul3A_21 = vector.broadcast %mul3A_20 : f32 to vector<16xf32>
    %mul3A_22 = arith.mulf %mul3A_21, %add3A_19 : vector<16xf32>
    %bitcast3A = vector.bitcast %mul3A_22 : vector<16xf32> to vector<16xi32>
    %shift_right_arithmetic3A = arith.constant 23 : i32
    %shift_right_arithmetic3A_23 = vector.broadcast %shift_right_arithmetic3A : i32 to vector<16xi32>
    %shift_right_arithmetic3A_24 = arith.shrsi %bitcast3A, %shift_right_arithmetic3A_23 : vector<16xi32>
    %sub3A = arith.constant 127 : i32
    %sub3A_25 = vector.broadcast %sub3A : i32 to vector<16xi32>
    %sub3A_26 = arith.subi %shift_right_arithmetic3A_24, %sub3A_25 : vector<16xi32>
    %and3A = arith.constant 8388607 : i32
    %and3A_27 = vector.broadcast %and3A : i32 to vector<16xi32>
    %and3A_28 = arith.andi %bitcast3A, %and3A_27 : vector<16xi32>
    %or3A = arith.constant 1065353216 : i32
    %or3A_29 = vector.broadcast %or3A : i32 to vector<16xi32>
    %or3A_30 = arith.ori %and3A_28, %or3A_29 : vector<16xi32>
    %bitcast3A_31 = vector.bitcast %or3A_30 : vector<16xi32> to vector<16xf32>
    %gt3A = arith.constant 1.41421354 : f32
    %gt3A_32 = vector.broadcast %gt3A : f32 to vector<16xf32>
    %gt3A_33 = arith.cmpf ogt, %bitcast3A_31, %gt3A_32 : vector<16xf32>
    %mul3A_34 = arith.constant 5.000000e-01 : f32
    %mul3A_35 = vector.broadcast %mul3A_34 : f32 to vector<16xf32>
    %mul3A_36 = arith.mulf %bitcast3A_31, %mul3A_35 : vector<16xf32>
    %select_n3A_37 = arith.select %gt3A_33, %mul3A_36, %bitcast3A_31 : vector<16xi1>, vector<16xf32>
    %jit3A_38 = arith.constant 1 : i32
    %jit3A_39 = arith.constant 0 : i32
    %broadcast_in_dim3A_40 = vector.broadcast %jit3A_38 : i32 to vector<16xi32>
    %broadcast_in_dim3A_41 = vector.broadcast %jit3A_39 : i32 to vector<16xi32>
    %select_n3A_42 = arith.select %gt3A_33, %broadcast_in_dim3A_40, %broadcast_in_dim3A_41 : vector<16xi1>, vector<16xi32>
    %add3A_43 = arith.addi %sub3A_26, %select_n3A_42 : vector<16xi32>
    %convert_element_type3A = arith.sitofp %add3A_43 : vector<16xi32> to vector<16xf32>
    %sub3A_44 = arith.constant 1.000000e+00 : f32
    %sub3A_45 = vector.broadcast %sub3A_44 : f32 to vector<16xf32>
    %sub3A_46 = arith.subf %select_n3A_37, %sub3A_45 : vector<16xf32>
    %add3A_47 = arith.constant 1.000000e+00 : f32
    %add3A_48 = vector.broadcast %add3A_47 : f32 to vector<16xf32>
    %add3A_49 = arith.addf %select_n3A_37, %add3A_48 : vector<16xf32>
    %div3A = arith.divf %sub3A_46, %add3A_49 : vector<16xf32>
    %mul3A_50 = arith.mulf %div3A, %div3A : vector<16xf32>
    %mul3A_51 = arith.constant 0.285714298 : f32
    %mul3A_52 = vector.broadcast %mul3A_51 : f32 to vector<16xf32>
    %mul3A_53 = arith.mulf %mul3A_50, %mul3A_52 : vector<16xf32>
    %add3A_54 = arith.constant 4.000000e-01 : f32
    %add3A_55 = vector.broadcast %add3A_54 : f32 to vector<16xf32>
    %add3A_56 = arith.addf %add3A_55, %mul3A_53 : vector<16xf32>
    %mul3A_57 = arith.mulf %mul3A_50, %add3A_56 : vector<16xf32>
    %add3A_58 = arith.constant 0.666666686 : f32
    %add3A_59 = vector.broadcast %add3A_58 : f32 to vector<16xf32>
    %add3A_60 = arith.addf %add3A_59, %mul3A_57 : vector<16xf32>
    %mul3A_61 = arith.mulf %mul3A_50, %add3A_60 : vector<16xf32>
    %add3A_62 = arith.constant 2.000000e+00 : f32
    %add3A_63 = vector.broadcast %add3A_62 : f32 to vector<16xf32>
    %add3A_64 = arith.addf %add3A_63, %mul3A_61 : vector<16xf32>
    %mul3A_65 = arith.mulf %div3A, %add3A_64 : vector<16xf32>
    %mul3A_66 = arith.constant 0.693147182 : f32
    %mul3A_67 = vector.broadcast %mul3A_66 : f32 to vector<16xf32>
    %mul3A_68 = arith.mulf %convert_element_type3A, %mul3A_67 : vector<16xf32>
    %add3A_69 = arith.addf %mul3A_68, %mul3A_65 : vector<16xf32>
    %swap3A = arith.constant 0 : index
    %swap3A_70 = tpu.vector_load %arg22[%swap3A] {strides = array<i32>} : memref<128xf32, #tpu.memory_space<vmem>>, vector<16xf32>,
    tpu.vector_store %arg22[%swap3A], %add3A_69 {strides = array<i32>} : memref<128xf32, #tpu.memory_space<vmem>>, vector<16xf32>,
    %sub3A_71 = arith.constant 1250 : i32
    %sub3A_72 = arith.subi %sub3A_71, %add3A : i32
    %add3A_73 = arith.constant 32 : i32
    %add3A_74 = arith.addi %sub3A_72, %add3A_73 : i32
    %sub3A_75 = arith.constant 1 : i32
    %sub3A_76 = arith.subi %add3A_74, %sub3A_75 : i32
    %jit3A_77 = arith.constant 32 : i32
    %div3A_78 = arith.divsi %sub3A_76, %jit3A_77 : i32
    %sign3A = arith.constant 0 : i32
    %sign3A_79 = arith.cmpi sgt, %sub3A_76, %sign3A : i32
    %sign3A_80 = arith.extui %sign3A_79 : i1 to i32
    %sign3A_81 = arith.constant 0 : i32
    %sign3A_82 = arith.cmpi slt, %sub3A_76, %sign3A_81 : i32
    %sign3A_83 = arith.extui %sign3A_82 : i1 to i32
    %sign3A_84 = arith.subi %sign3A_80, %sign3A_83 : i32
    %sign3A_85 = arith.constant 0 : i32
    %sign3A_86 = arith.cmpi sgt, %jit3A_77, %sign3A_85 : i32
    %sign3A_87 = arith.extui %sign3A_86 : i1 to i32
    %sign3A_88 = arith.constant 0 : i32
    %sign3A_89 = arith.cmpi slt, %jit3A_77, %sign3A_88 : i32
    %sign3A_90 = arith.extui %sign3A_89 : i1 to i32
    %sign3A_91 = arith.subi %sign3A_87, %sign3A_90 : i32
    %ne3A = arith.cmpi ne, %sign3A_84, %sign3A_91 : i32
    %rem3A = arith.remsi %sub3A_76, %jit3A_77 : i32
    %ne3A_92 = arith.constant 0 : i32
    %ne3A_93 = arith.cmpi ne, %rem3A, %ne3A_92 : i32
    %and3A_94 = arith.andi %ne3A, %ne3A_93 : i1
    %sub3A_95 = arith.constant 1 : i32
    %sub3A_96 = arith.subi %div3A_78, %sub3A_95 : i32
    %select_n3A_97 = arith.select %and3A_94, %sub3A_96, %div3A_78 : i32
    %while3A = arith.constant 0 : i32
    %while3A_98 = arith.constant 0 : i32
    %while3A_99 = arith.subi %select_n3A_97, %while3A_98 : i32
    %while3A_100 = arith.addi %while3A_98, %while3A_99 : i32
    %while3A_101 = arith.constant 1 : i32
    %while3A_102 = arith.divsi %while3A_99, %while3A_101 : i32
    %while3A_103 = arith.muli %while3A_102, %while3A_101 : i32
    %while3A_104 = arith.addi %while3A_98, %while3A_103 : i32
    %while3A_105 = arith.constant 1 : i32
    scf.for %while3A_147 = %while3A_98 to %while3A_104 step %while3A_105  : i32 {
      %mul3A_148 = arith.constant 32 : i32
      %mul3A_149 = arith.muli %while3A_147, %mul3A_148 : i32
      %add3A_150 = arith.addi %add3A, %mul3A_149 : i32
      %mul3A_151 = arith.constant 1280 : i32
      %mul3A_152 = arith.muli %add3A_150, %mul3A_151 : i32
      "tpu.region"() ({
        %run_scoped3A = tpu.sem_alloc : memref<!tpu.dma_semaphore, #tpu.memory_space<semaphore_mem>>
        %dma_start3A_175 = tpu.memref_slice %arg3[%mul3A_152] : memref<1600000xi32, #tpu.memory_space<hbm>> -> memref<1280xi32, #tpu.memory_space<hbm>>
        %dma_start3A_176 = tpu.memref_slice %arg3[%mul3A_152] : memref<1600000xi32, #tpu.memory_space<hbm>> -> memref<1280xi32, #tpu.memory_space<hbm>>
        tpu.enqueue_dma source(%dma_start3A_176 : memref<1280xi32, #tpu.memory_space<hbm>>) target(%arg11 : memref<1280xi32, #tpu.memory_space<vmem>>) target_semaphore(%run_scoped3A : memref<!tpu.dma_semaphore, #tpu.memory_space<semaphore_mem>>)
        %dma_wait3A_177 = tpu.memref_slice %arg3[%mul3A_152] : memref<1600000xi32, #tpu.memory_space<hbm>> -> memref<1280xi32, #tpu.memory_space<hbm>>
        %dma_wait3A_178 = tpu.memref_slice %arg3[%mul3A_152] : memref<1600000xi32, #tpu.memory_space<hbm>> -> memref<1280xi32, #tpu.memory_space<hbm>>
        tpu.wait_dma2 semaphore(%run_scoped3A : memref<!tpu.dma_semaphore, #tpu.memory_space<semaphore_mem>>) src(%dma_wait3A_178 : memref<1280xi32, #tpu.memory_space<hbm>>) dst(%arg11 : memref<1280xi32, #tpu.memory_space<vmem>>)
        tpu.yield
      }) : () -> ()
      "tpu.region"() ({
        %run_scoped3A = tpu.sem_alloc : memref<!tpu.dma_semaphore, #tpu.memory_space<semaphore_mem>>
        %dma_start3A_175 = tpu.memref_slice %arg4[%mul3A_152] : memref<1600000xi32, #tpu.memory_space<hbm>> -> memref<1280xi32, #tpu.memory_space<hbm>>
        %dma_start3A_176 = tpu.memref_slice %arg4[%mul3A_152] : memref<1600000xi32, #tpu.memory_space<hbm>> -> memref<1280xi32, #tpu.memory_space<hbm>>
        tpu.enqueue_dma source(%dma_start3A_176 : memref<1280xi32, #tpu.memory_space<hbm>>) target(%arg12 : memref<1280xi32, #tpu.memory_space<vmem>>) target_semaphore(%run_scoped3A : memref<!tpu.dma_semaphore, #tpu.memory_space<semaphore_mem>>)
        %dma_wait3A_177 = tpu.memref_slice %arg4[%mul3A_152] : memref<1600000xi32, #tpu.memory_space<hbm>> -> memref<1280xi32, #tpu.memory_space<hbm>>
        %dma_wait3A_178 = tpu.memref_slice %arg4[%mul3A_152] : memref<1600000xi32, #tpu.memory_space<hbm>> -> memref<1280xi32, #tpu.memory_space<hbm>>
        tpu.wait_dma2 semaphore(%run_scoped3A : memref<!tpu.dma_semaphore, #tpu.memory_space<semaphore_mem>>) src(%dma_wait3A_178 : memref<1280xi32, #tpu.memory_space<hbm>>) dst(%arg12 : memref<1280xi32, #tpu.memory_space<vmem>>)
        tpu.yield
      }) : () -> ()
      %scan3A_153 = arith.constant 0 : i32
      %scan3A_154 = arith.constant 0 : i32
      %scan3A_155 = arith.constant 80 : i32
      %scan3A_156 = arith.addi %scan3A_154, %scan3A_155 : i32
      %scan3A_157 = arith.constant 1 : i32
      scf.for %scan3A_175 = %scan3A_154 to %scan3A_156 step %scan3A_157  : i32 {
        %mul3A_176 = arith.constant 16 : i32
        %mul3A_177 = arith.muli %scan3A_175, %mul3A_176 : i32
        %add3A_178 = vector.broadcast %mul3A_177 : i32 to vector<16xi32>
        %add3A_179 = arith.addi %add3A_178, %iota3A : vector<16xi32>
        %mul3A_180 = arith.constant 2 : i32
        %mul3A_181 = vector.broadcast %mul3A_180 : i32 to vector<16xi32>
        %mul3A_182 = arith.muli %add3A_179, %mul3A_181 : vector<16xi32>
        %mul3A_183 = arith.constant 16 : i32
        %mul3A_184 = arith.muli %scan3A_175, %mul3A_183 : i32
        %get3A = arith.index_cast %mul3A_184 : i32 to index
        %get3A_185 = tpu.vector_load %arg11[%get3A] {strides = array<i32>} : memref<1280xi32, #tpu.memory_space<vmem>>, vector<16xi32>,
        %mul3A_186 = arith.constant 2 : i32
        %mul3A_187 = vector.broadcast %mul3A_186 : i32 to vector<16xi32>
        %mul3A_188 = arith.muli %get3A_185, %mul3A_187 : vector<16xi32>
        tpu.vector_store_idx %arg13[%mul3A_182], %mul3A_188 : memref<2560xi32, #tpu.memory_space<vmem>>[vector<16xi32>], vector<16xi32>,
        %mul3A_189 = arith.constant 16 : i32
        %mul3A_190 = arith.muli %scan3A_175, %mul3A_189 : i32
        %get3A_191 = arith.index_cast %mul3A_190 : i32 to index
        %get3A_192 = tpu.vector_load %arg12[%get3A_191] {strides = array<i32>} : memref<1280xi32, #tpu.memory_space<vmem>>, vector<16xi32>,
        %mul3A_193 = arith.constant 2 : i32
        %mul3A_194 = vector.broadcast %mul3A_193 : i32 to vector<16xi32>
        %mul3A_195 = arith.muli %get3A_192, %mul3A_194 : vector<16xi32>
        tpu.vector_store_idx %arg15[%mul3A_182], %mul3A_195 : memref<2560xi32, #tpu.memory_space<vmem>>[vector<16xi32>], vector<16xi32>,
      }
      %scan3A_158 = arith.constant 80 : i32
      %dma_start3A = arith.constant 0 : i32
      %dma_start3A_159 = arith.constant 0 : i32
      %dma_start3A_160 = tpu.memref_slice %arg2[%dma_start3A, %dma_start3A_159] : memref<100000x4xf32, #tpu.memory_space<hbm>> -> memref<100000x4xf32, #tpu.memory_space<hbm>>
      tpu.enqueue_indirect_dma source(%dma_start3A_160 : memref<100000x4xf32, #tpu.memory_space<hbm>>) target(%arg17 : memref<2560x4xf32, #tpu.memory_space<vmem>>) offsets(%arg13 : memref<2560xi32, #tpu.memory_space<vmem>>) semaphore(%arg26 : memref<!tpu.dma_semaphore, #tpu.memory_space<semaphore_mem>>)
      %dma_start3A_161 = arith.constant 0 : i32
      %dma_start3A_162 = arith.constant 0 : i32
      %dma_start3A_163 = tpu.memref_slice %arg2[%dma_start3A_161, %dma_start3A_162] : memref<100000x4xf32, #tpu.memory_space<hbm>> -> memref<100000x4xf32, #tpu.memory_space<hbm>>
      tpu.enqueue_indirect_dma source(%dma_start3A_163 : memref<100000x4xf32, #tpu.memory_space<hbm>>) target(%arg18 : memref<2560x4xf32, #tpu.memory_space<vmem>>) offsets(%arg15 : memref<2560xi32, #tpu.memory_space<vmem>>) semaphore(%arg27 : memref<!tpu.dma_semaphore, #tpu.memory_space<semaphore_mem>>)
      %dma_wait3A = arith.constant 0 : i32
      %dma_wait3A_164 = arith.constant 0 : i32
      %dma_wait3A_165 = tpu.memref_slice %arg2[%dma_wait3A, %dma_wait3A_164] : memref<100000x4xf32, #tpu.memory_space<hbm>> -> memref<100000x4xf32, #tpu.memory_space<hbm>>
      tpu.wait_indirect_dma semaphore(%arg26 : memref<!tpu.dma_semaphore, #tpu.memory_space<semaphore_mem>>) src(%dma_wait3A_165 : memref<100000x4xf32, #tpu.memory_space<hbm>>) dst(%arg17 : memref<2560x4xf32, #tpu.memory_space<vmem>>)
      %dma_wait3A_166 = arith.constant 0 : i32
      %dma_wait3A_167 = arith.constant 0 : i32
      %dma_wait3A_168 = tpu.memref_slice %arg2[%dma_wait3A_166, %dma_wait3A_167] : memref<100000x4xf32, #tpu.memory_space<hbm>> -> memref<100000x4xf32, #tpu.memory_space<hbm>>
      tpu.wait_indirect_dma semaphore(%arg27 : memref<!tpu.dma_semaphore, #tpu.memory_space<semaphore_mem>>) src(%dma_wait3A_168 : memref<100000x4xf32, #tpu.memory_space<hbm>>) dst(%arg18 : memref<2560x4xf32, #tpu.memory_space<vmem>>)
      %scan3A_169 = arith.constant 0 : i32
      %scan3A_170 = arith.constant 0 : i32
      %scan3A_171 = arith.constant 80 : i32
      %scan3A_172 = arith.addi %scan3A_170, %scan3A_171 : i32
      %scan3A_173 = arith.constant 1 : i32
      scf.for %scan3A_175 = %scan3A_170 to %scan3A_172 step %scan3A_173  : i32 {
        %mul3A_176 = arith.constant 16 : i32
        %mul3A_177 = arith.muli %scan3A_175, %mul3A_176 : i32
        %add3A_178 = vector.broadcast %mul3A_177 : i32 to vector<16xi32>
        %add3A_179 = arith.addi %add3A_178, %iota3A : vector<16xi32>
        %broadcast_in_dim3A_180 = arith.constant 0 : i32
        %broadcast_in_dim3A_181 = vector.broadcast %broadcast_in_dim3A_180 : i32 to vector<16xi32>
        %gather3A_182 = tpu.vector_load_idx %arg17[%add3A_179, %broadcast_in_dim3A_181] : memref<2560x4xf32, #tpu.memory_space<vmem>>[vector<16xi32>, vector<16xi32>], vector<16xf32>,
        %add3A_183 = arith.constant 1 : i32
        %add3A_184 = vector.broadcast %add3A_183 : i32 to vector<16xi32>
        %add3A_185 = arith.addi %broadcast_in_dim3A_181, %add3A_184 : vector<16xi32>
        %gather3A_186 = tpu.vector_load_idx %arg17[%add3A_179, %add3A_185] : memref<2560x4xf32, #tpu.memory_space<vmem>>[vector<16xi32>, vector<16xi32>], vector<16xf32>,
        %add3A_187 = arith.constant 2 : i32
        %add3A_188 = vector.broadcast %add3A_187 : i32 to vector<16xi32>
        %add3A_189 = arith.addi %broadcast_in_dim3A_181, %add3A_188 : vector<16xi32>
        %gather3A_190 = tpu.vector_load_idx %arg17[%add3A_179, %add3A_189] : memref<2560x4xf32, #tpu.memory_space<vmem>>[vector<16xi32>, vector<16xi32>], vector<16xf32>,
        %add3A_191 = arith.constant 3 : i32
        %add3A_192 = vector.broadcast %add3A_191 : i32 to vector<16xi32>
        %add3A_193 = arith.addi %broadcast_in_dim3A_181, %add3A_192 : vector<16xi32>
        %gather3A_194 = tpu.vector_load_idx %arg17[%add3A_179, %add3A_193] : memref<2560x4xf32, #tpu.memory_space<vmem>>[vector<16xi32>, vector<16xi32>], vector<16xf32>,
        %gather3A_195 = tpu.vector_load_idx %arg18[%add3A_179, %broadcast_in_dim3A_181] : memref<2560x4xf32, #tpu.memory_space<vmem>>[vector<16xi32>, vector<16xi32>], vector<16xf32>,
        %add3A_196 = arith.constant 1 : i32
        %add3A_197 = vector.broadcast %add3A_196 : i32 to vector<16xi32>
        %add3A_198 = arith.addi %broadcast_in_dim3A_181, %add3A_197 : vector<16xi32>
        %gather3A_199 = tpu.vector_load_idx %arg18[%add3A_179, %add3A_198] : memref<2560x4xf32, #tpu.memory_space<vmem>>[vector<16xi32>, vector<16xi32>], vector<16xf32>,
        %add3A_200 = arith.constant 2 : i32
        %add3A_201 = vector.broadcast %add3A_200 : i32 to vector<16xi32>
        %add3A_202 = arith.addi %broadcast_in_dim3A_181, %add3A_201 : vector<16xi32>
        %gather3A_203 = tpu.vector_load_idx %arg18[%add3A_179, %add3A_202] : memref<2560x4xf32, #tpu.memory_space<vmem>>[vector<16xi32>, vector<16xi32>], vector<16xf32>,
        %add3A_204 = arith.constant 3 : i32
        %add3A_205 = vector.broadcast %add3A_204 : i32 to vector<16xi32>
        %add3A_206 = arith.addi %broadcast_in_dim3A_181, %add3A_205 : vector<16xi32>
        %gather3A_207 = tpu.vector_load_idx %arg18[%add3A_179, %add3A_206] : memref<2560x4xf32, #tpu.memory_space<vmem>>[vector<16xi32>, vector<16xi32>], vector<16xf32>,
        %sub3A_208 = arith.subf %gather3A_195, %gather3A_182 : vector<16xf32>
        %sub3A_209 = arith.subf %gather3A_199, %gather3A_186 : vector<16xf32>
        %sub3A_210 = arith.subf %gather3A_203, %gather3A_190 : vector<16xf32>
        %mul3A_211 = arith.mulf %sub3A_208, %sub3A_208 : vector<16xf32>
        %mul3A_212 = arith.mulf %sub3A_209, %sub3A_209 : vector<16xf32>
        %add3A_213 = arith.addf %mul3A_211, %mul3A_212 : vector<16xf32>
        %mul3A_214 = arith.mulf %sub3A_210, %sub3A_210 : vector<16xf32>
        %add3A_215 = arith.addf %add3A_213, %mul3A_214 : vector<16xf32>
        %add3A_216 = arith.constant 9.99999996E-13 : f32
        %add3A_217 = vector.broadcast %add3A_216 : f32 to vector<16xf32>
        %add3A_218 = arith.addf %add3A_215, %add3A_217 : vector<16xf32>
        %bitcast3A_219 = vector.bitcast %add3A_218 : vector<16xf32> to vector<16xi32>
        %shift_right_arithmetic3A_220 = arith.constant 1 : i32
        %shift_right_arithmetic3A_221 = vector.broadcast %shift_right_arithmetic3A_220 : i32 to vector<16xi32>
        %shift_right_arithmetic3A_222 = arith.shrsi %bitcast3A_219, %shift_right_arithmetic3A_221 : vector<16xi32>
        %sub3A_223 = arith.constant 1597463007 : i32
        %sub3A_224 = vector.broadcast %sub3A_223 : i32 to vector<16xi32>
        %sub3A_225 = arith.subi %sub3A_224, %shift_right_arithmetic3A_222 : vector<16xi32>
        %bitcast3A_226 = vector.bitcast %sub3A_225 : vector<16xi32> to vector<16xf32>
        %mul3A_227 = arith.constant 5.000000e-01 : f32
        %mul3A_228 = vector.broadcast %mul3A_227 : f32 to vector<16xf32>
        %mul3A_229 = arith.mulf %mul3A_228, %add3A_218 : vector<16xf32>
        %mul3A_230 = arith.mulf %mul3A_229, %bitcast3A_226 : vector<16xf32>
        %mul3A_231 = arith.mulf %mul3A_230, %bitcast3A_226 : vector<16xf32>
        %sub3A_232 = arith.constant 1.500000e+00 : f32
        %sub3A_233 = vector.broadcast %sub3A_232 : f32 to vector<16xf32>
        %sub3A_234 = arith.subf %sub3A_233, %mul3A_231 : vector<16xf32>
        %mul3A_235 = arith.mulf %bitcast3A_226, %sub3A_234 : vector<16xf32>
        %mul3A_236 = arith.mulf %mul3A_229, %mul3A_235 : vector<16xf32>
        %mul3A_237 = arith.mulf %mul3A_236, %mul3A_235 : vector<16xf32>
        %sub3A_238 = arith.constant 1.500000e+00 : f32
        %sub3A_239 = vector.broadcast %sub3A_238 : f32 to vector<16xf32>
        %sub3A_240 = arith.subf %sub3A_239, %mul3A_237 : vector<16xf32>
        %mul3A_241 = arith.mulf %mul3A_235, %sub3A_240 : vector<16xf32>
        %mul3A_242 = arith.mulf %mul3A_229, %mul3A_241 : vector<16xf32>
        %mul3A_243 = arith.mulf %mul3A_242, %mul3A_241 : vector<16xf32>
        %sub3A_244 = arith.constant 1.500000e+00 : f32
        %sub3A_245 = vector.broadcast %sub3A_244 : f32 to vector<16xf32>
        %sub3A_246 = arith.subf %sub3A_245, %mul3A_243 : vector<16xf32>
        %mul3A_247 = arith.mulf %mul3A_241, %sub3A_246 : vector<16xf32>
        %mul3A_248 = arith.mulf %add3A_218, %mul3A_247 : vector<16xf32>
        %bitcast3A_249 = vector.bitcast %add3A_218 : vector<16xf32> to vector<16xi32>
        %shift_right_arithmetic3A_250 = arith.constant 23 : i32
        %shift_right_arithmetic3A_251 = vector.broadcast %shift_right_arithmetic3A_250 : i32 to vector<16xi32>
        %shift_right_arithmetic3A_252 = arith.shrsi %bitcast3A_249, %shift_right_arithmetic3A_251 : vector<16xi32>
        %sub3A_253 = arith.constant 127 : i32
        %sub3A_254 = vector.broadcast %sub3A_253 : i32 to vector<16xi32>
        %sub3A_255 = arith.subi %shift_right_arithmetic3A_252, %sub3A_254 : vector<16xi32>
        %and3A_256 = arith.constant 8388607 : i32
        %and3A_257 = vector.broadcast %and3A_256 : i32 to vector<16xi32>
        %and3A_258 = arith.andi %bitcast3A_249, %and3A_257 : vector<16xi32>
        %or3A_259 = arith.constant 1065353216 : i32
        %or3A_260 = vector.broadcast %or3A_259 : i32 to vector<16xi32>
        %or3A_261 = arith.ori %and3A_258, %or3A_260 : vector<16xi32>
        %bitcast3A_262 = vector.bitcast %or3A_261 : vector<16xi32> to vector<16xf32>
        %gt3A_263 = arith.constant 1.41421354 : f32
        %gt3A_264 = vector.broadcast %gt3A_263 : f32 to vector<16xf32>
        %gt3A_265 = arith.cmpf ogt, %bitcast3A_262, %gt3A_264 : vector<16xf32>
        %mul3A_266 = arith.constant 5.000000e-01 : f32
        %mul3A_267 = vector.broadcast %mul3A_266 : f32 to vector<16xf32>
        %mul3A_268 = arith.mulf %bitcast3A_262, %mul3A_267 : vector<16xf32>
        %select_n3A_269 = arith.select %gt3A_265, %mul3A_268, %bitcast3A_262 : vector<16xi1>, vector<16xf32>
        %jit3A_270 = arith.constant 1 : i32
        %jit3A_271 = arith.constant 0 : i32
        %broadcast_in_dim3A_272 = vector.broadcast %jit3A_270 : i32 to vector<16xi32>
        %broadcast_in_dim3A_273 = vector.broadcast %jit3A_271 : i32 to vector<16xi32>
        %select_n3A_274 = arith.select %gt3A_265, %broadcast_in_dim3A_272, %broadcast_in_dim3A_273 : vector<16xi1>, vector<16xi32>
        %add3A_275 = arith.addi %sub3A_255, %select_n3A_274 : vector<16xi32>
        %convert_element_type3A_276 = arith.sitofp %add3A_275 : vector<16xi32> to vector<16xf32>
        %sub3A_277 = arith.constant 1.000000e+00 : f32
        %sub3A_278 = vector.broadcast %sub3A_277 : f32 to vector<16xf32>
        %sub3A_279 = arith.subf %select_n3A_269, %sub3A_278 : vector<16xf32>
        %add3A_280 = arith.constant 1.000000e+00 : f32
        %add3A_281 = vector.broadcast %add3A_280 : f32 to vector<16xf32>
        %add3A_282 = arith.addf %select_n3A_269, %add3A_281 : vector<16xf32>
        %div3A_283 = arith.divf %sub3A_279, %add3A_282 : vector<16xf32>
        %mul3A_284 = arith.mulf %div3A_283, %div3A_283 : vector<16xf32>
        %mul3A_285 = arith.constant 0.285714298 : f32
        %mul3A_286 = vector.broadcast %mul3A_285 : f32 to vector<16xf32>
        %mul3A_287 = arith.mulf %mul3A_284, %mul3A_286 : vector<16xf32>
        %add3A_288 = arith.constant 4.000000e-01 : f32
        %add3A_289 = vector.broadcast %add3A_288 : f32 to vector<16xf32>
        %add3A_290 = arith.addf %add3A_289, %mul3A_287 : vector<16xf32>
        %mul3A_291 = arith.mulf %mul3A_284, %add3A_290 : vector<16xf32>
        %add3A_292 = arith.constant 0.666666686 : f32
        %add3A_293 = vector.broadcast %add3A_292 : f32 to vector<16xf32>
        %add3A_294 = arith.addf %add3A_293, %mul3A_291 : vector<16xf32>
        %mul3A_295 = arith.mulf %mul3A_284, %add3A_294 : vector<16xf32>
        %add3A_296 = arith.constant 2.000000e+00 : f32
        %add3A_297 = vector.broadcast %add3A_296 : f32 to vector<16xf32>
        %add3A_298 = arith.addf %add3A_297, %mul3A_295 : vector<16xf32>
        %mul3A_299 = arith.mulf %div3A_283, %add3A_298 : vector<16xf32>
        %mul3A_300 = arith.constant 0.693147182 : f32
        %mul3A_301 = vector.broadcast %mul3A_300 : f32 to vector<16xf32>
        %mul3A_302 = arith.mulf %convert_element_type3A_276, %mul3A_301 : vector<16xf32>
        %add3A_303 = arith.addf %mul3A_302, %mul3A_299 : vector<16xf32>
        %add3A_304 = arith.addf %gather3A_194, %gather3A_207 : vector<16xf32>
        %convert_element_type3A_305 = arith.fptosi %add3A_304 : vector<16xf32> to vector<16xi32>
        %gather3A_306 = tpu.vector_load_idx %arg22[%convert_element_type3A_305] : memref<128xf32, #tpu.memory_space<vmem>>[vector<16xi32>], vector<16xf32>,
        %mul3A_307 = arith.constant 5.000000e-01 : f32
        %mul3A_308 = vector.broadcast %mul3A_307 : f32 to vector<16xf32>
        %mul3A_309 = arith.mulf %mul3A_308, %add3A_303 : vector<16xf32>
        %sub3A_310 = arith.subf %gather3A_306, %mul3A_309 : vector<16xf32>
        %sub3A_311 = arith.constant 6.000000e+00 : f32
        %sub3A_312 = vector.broadcast %sub3A_311 : f32 to vector<16xf32>
        %sub3A_313 = arith.subf %mul3A_248, %sub3A_312 : vector<16xf32>
        %mul3A_314 = arith.constant 5.000000e+00 : f32
        %mul3A_315 = vector.broadcast %mul3A_314 : f32 to vector<16xf32>
        %mul3A_316 = arith.mulf %sub3A_313, %mul3A_315 : vector<16xf32>
        %min3A = arith.constant 8.500000e+01 : f32
        %min3A_317 = vector.broadcast %min3A : f32 to vector<16xf32>
        %min3A_318 = arith.minimumf %mul3A_316, %min3A_317 : vector<16xf32>
        %exp3A = math.exp %min3A_318 : vector<16xf32>
        %add3A_319 = arith.constant 1.000000e+00 : f32
        %add3A_320 = vector.broadcast %add3A_319 : f32 to vector<16xf32>
        %add3A_321 = arith.addf %add3A_320, %exp3A : vector<16xf32>
        %div3A_322 = arith.constant 1.000000e+00 : f32
        %div3A_323 = vector.broadcast %div3A_322 : f32 to vector<16xf32>
        %div3A_324 = arith.divf %div3A_323, %add3A_321 : vector<16xf32>
        %mul3A_325 = arith.constant 26 : i32
        %mul3A_326 = vector.broadcast %mul3A_325 : i32 to vector<16xi32>
        %mul3A_327 = arith.muli %convert_element_type3A_305, %mul3A_326 : vector<16xi32>
        %add3A_328 = arith.constant 0 : i32
        %add3A_329 = vector.broadcast %add3A_328 : i32 to vector<16xi32>
        %add3A_330 = arith.addi %mul3A_327, %add3A_329 : vector<16xi32>
        %gather3A_331 = tpu.vector_load_idx %arg20[%add3A_330] : memref<128xf32, #tpu.memory_space<vmem>>[vector<16xi32>], vector<16xf32>,
        %add3A_332 = arith.constant 1 : i32
        %add3A_333 = vector.broadcast %add3A_332 : i32 to vector<16xi32>
        %add3A_334 = arith.addi %mul3A_327, %add3A_333 : vector<16xi32>
        %gather3A_335 = tpu.vector_load_idx %arg20[%add3A_334] : memref<128xf32, #tpu.memory_space<vmem>>[vector<16xi32>], vector<16xf32>,
        %add3A_336 = arith.constant 1.000000e+00 : f32
        %add3A_337 = vector.broadcast %add3A_336 : f32 to vector<16xf32>
        %add3A_338 = arith.addf %add3A_337, %gather3A_335 : vector<16xf32>
        %mul3A_339 = arith.mulf %sub3A_310, %add3A_338 : vector<16xf32>
        %exp3A_340 = math.exp %mul3A_339 : vector<16xf32>
        %add3A_341 = arith.constant 0 : i32
        %add3A_342 = vector.broadcast %add3A_341 : i32 to vector<16xi32>
        %add3A_343 = arith.addi %broadcast_in_dim3A_181, %add3A_342 : vector<16xi32>
        %mul3A_344 = arith.mulf %gather3A_331, %exp3A_340 : vector<16xf32>
        %mul3A_345 = arith.mulf %mul3A_344, %div3A_324 : vector<16xf32>
        tpu.vector_store_idx %arg19[%add3A_179, %add3A_343], %mul3A_345 : memref<1280x13xf32, #tpu.memory_space<vmem>>[vector<16xi32>, vector<16xi32>], vector<16xf32>,
        %add3A_346 = arith.constant 2 : i32
        %add3A_347 = vector.broadcast %add3A_346 : i32 to vector<16xi32>
        %add3A_348 = arith.addi %mul3A_327, %add3A_347 : vector<16xi32>
        %gather3A_349 = tpu.vector_load_idx %arg20[%add3A_348] : memref<128xf32, #tpu.memory_space<vmem>>[vector<16xi32>], vector<16xf32>,
        %add3A_350 = arith.constant 3 : i32
        %add3A_351 = vector.broadcast %add3A_350 : i32 to vector<16xi32>
        %add3A_352 = arith.addi %mul3A_327, %add3A_351 : vector<16xi32>
        %gather3A_353 = tpu.vector_load_idx %arg20[%add3A_352] : memref<128xf32, #tpu.memory_space<vmem>>[vector<16xi32>], vector<16xf32>,
        %add3A_354 = arith.constant 1.000000e+00 : f32
        %add3A_355 = vector.broadcast %add3A_354 : f32 to vector<16xf32>
        %add3A_356 = arith.addf %add3A_355, %gather3A_353 : vector<16xf32>
        %mul3A_357 = arith.mulf %sub3A_310, %add3A_356 : vector<16xf32>
        %exp3A_358 = math.exp %mul3A_357 : vector<16xf32>
        %add3A_359 = arith.constant 1 : i32
        %add3A_360 = vector.broadcast %add3A_359 : i32 to vector<16xi32>
        %add3A_361 = arith.addi %broadcast_in_dim3A_181, %add3A_360 : vector<16xi32>
        %mul3A_362 = arith.mulf %gather3A_349, %exp3A_358 : vector<16xf32>
        %mul3A_363 = arith.mulf %mul3A_362, %div3A_324 : vector<16xf32>
        tpu.vector_store_idx %arg19[%add3A_179, %add3A_361], %mul3A_363 : memref<1280x13xf32, #tpu.memory_space<vmem>>[vector<16xi32>, vector<16xi32>], vector<16xf32>,
        %add3A_364 = arith.constant 4 : i32
        %add3A_365 = vector.broadcast %add3A_364 : i32 to vector<16xi32>
        %add3A_366 = arith.addi %mul3A_327, %add3A_365 : vector<16xi32>
        %gather3A_367 = tpu.vector_load_idx %arg20[%add3A_366] : memref<128xf32, #tpu.memory_space<vmem>>[vector<16xi32>], vector<16xf32>,
        %add3A_368 = arith.constant 5 : i32
        %add3A_369 = vector.broadcast %add3A_368 : i32 to vector<16xi32>
        %add3A_370 = arith.addi %mul3A_327, %add3A_369 : vector<16xi32>
        %gather3A_371 = tpu.vector_load_idx %arg20[%add3A_370] : memref<128xf32, #tpu.memory_space<vmem>>[vector<16xi32>], vector<16xf32>,
        %add3A_372 = arith.constant 1.000000e+00 : f32
        %add3A_373 = vector.broadcast %add3A_372 : f32 to vector<16xf32>
        %add3A_374 = arith.addf %add3A_373, %gather3A_371 : vector<16xf32>
        %mul3A_375 = arith.mulf %sub3A_310, %add3A_374 : vector<16xf32>
        %exp3A_376 = math.exp %mul3A_375 : vector<16xf32>
        %add3A_377 = arith.constant 2 : i32
        %add3A_378 = vector.broadcast %add3A_377 : i32 to vector<16xi32>
        %add3A_379 = arith.addi %broadcast_in_dim3A_181, %add3A_378 : vector<16xi32>
        %mul3A_380 = arith.mulf %gather3A_367, %exp3A_376 : vector<16xf32>
        %mul3A_381 = arith.mulf %mul3A_380, %div3A_324 : vector<16xf32>
        tpu.vector_store_idx %arg19[%add3A_179, %add3A_379], %mul3A_381 : memref<1280x13xf32, #tpu.memory_space<vmem>>[vector<16xi32>, vector<16xi32>], vector<16xf32>,
        %add3A_382 = arith.constant 6 : i32
        %add3A_383 = vector.broadcast %add3A_382 : i32 to vector<16xi32>
        %add3A_384 = arith.addi %mul3A_327, %add3A_383 : vector<16xi32>
        %gather3A_385 = tpu.vector_load_idx %arg20[%add3A_384] : memref<128xf32, #tpu.memory_space<vmem>>[vector<16xi32>], vector<16xf32>,
        %add3A_386 = arith.constant 7 : i32
        %add3A_387 = vector.broadcast %add3A_386 : i32 to vector<16xi32>
        %add3A_388 = arith.addi %mul3A_327, %add3A_387 : vector<16xi32>
        %gather3A_389 = tpu.vector_load_idx %arg20[%add3A_388] : memref<128xf32, #tpu.memory_space<vmem>>[vector<16xi32>], vector<16xf32>,
        %add3A_390 = arith.constant 1.000000e+00 : f32
        %add3A_391 = vector.broadcast %add3A_390 : f32 to vector<16xf32>
        %add3A_392 = arith.addf %add3A_391, %gather3A_389 : vector<16xf32>
        %mul3A_393 = arith.mulf %sub3A_310, %add3A_392 : vector<16xf32>
        %exp3A_394 = math.exp %mul3A_393 : vector<16xf32>
        %add3A_395 = arith.constant 3 : i32
        %add3A_396 = vector.broadcast %add3A_395 : i32 to vector<16xi32>
        %add3A_397 = arith.addi %broadcast_in_dim3A_181, %add3A_396 : vector<16xi32>
        %mul3A_398 = arith.mulf %gather3A_385, %exp3A_394 : vector<16xf32>
        %mul3A_399 = arith.mulf %mul3A_398, %div3A_324 : vector<16xf32>
        tpu.vector_store_idx %arg19[%add3A_179, %add3A_397], %mul3A_399 : memref<1280x13xf32, #tpu.memory_space<vmem>>[vector<16xi32>, vector<16xi32>], vector<16xf32>,
        %add3A_400 = arith.constant 8 : i32
        %add3A_401 = vector.broadcast %add3A_400 : i32 to vector<16xi32>
        %add3A_402 = arith.addi %mul3A_327, %add3A_401 : vector<16xi32>
        %gather3A_403 = tpu.vector_load_idx %arg20[%add3A_402] : memref<128xf32, #tpu.memory_space<vmem>>[vector<16xi32>], vector<16xf32>,
        %add3A_404 = arith.constant 9 : i32
        %add3A_405 = vector.broadcast %add3A_404 : i32 to vector<16xi32>
        %add3A_406 = arith.addi %mul3A_327, %add3A_405 : vector<16xi32>
        %gather3A_407 = tpu.vector_load_idx %arg20[%add3A_406] : memref<128xf32, #tpu.memory_space<vmem>>[vector<16xi32>], vector<16xf32>,
        %add3A_408 = arith.constant 1.000000e+00 : f32
        %add3A_409 = vector.broadcast %add3A_408 : f32 to vector<16xf32>
        %add3A_410 = arith.addf %add3A_409, %gather3A_407 : vector<16xf32>
        %mul3A_411 = arith.mulf %sub3A_310, %add3A_410 : vector<16xf32>
        %exp3A_412 = math.exp %mul3A_411 : vector<16xf32>
        %add3A_413 = arith.constant 4 : i32
        %add3A_414 = vector.broadcast %add3A_413 : i32 to vector<16xi32>
        %add3A_415 = arith.addi %broadcast_in_dim3A_181, %add3A_414 : vector<16xi32>
        %mul3A_416 = arith.mulf %gather3A_403, %exp3A_412 : vector<16xf32>
        %mul3A_417 = arith.mulf %mul3A_416, %div3A_324 : vector<16xf32>
        tpu.vector_store_idx %arg19[%add3A_179, %add3A_415], %mul3A_417 : memref<1280x13xf32, #tpu.memory_space<vmem>>[vector<16xi32>, vector<16xi32>], vector<16xf32>,
        %add3A_418 = arith.constant 10 : i32
        %add3A_419 = vector.broadcast %add3A_418 : i32 to vector<16xi32>
        %add3A_420 = arith.addi %mul3A_327, %add3A_419 : vector<16xi32>
        %gather3A_421 = tpu.vector_load_idx %arg20[%add3A_420] : memref<128xf32, #tpu.memory_space<vmem>>[vector<16xi32>], vector<16xf32>,
        %add3A_422 = arith.constant 11 : i32
        %add3A_423 = vector.broadcast %add3A_422 : i32 to vector<16xi32>
        %add3A_424 = arith.addi %mul3A_327, %add3A_423 : vector<16xi32>
        %gather3A_425 = tpu.vector_load_idx %arg20[%add3A_424] : memref<128xf32, #tpu.memory_space<vmem>>[vector<16xi32>], vector<16xf32>,
        %add3A_426 = arith.constant 1.000000e+00 : f32
        %add3A_427 = vector.broadcast %add3A_426 : f32 to vector<16xf32>
        %add3A_428 = arith.addf %add3A_427, %gather3A_425 : vector<16xf32>
        %mul3A_429 = arith.mulf %sub3A_310, %add3A_428 : vector<16xf32>
        %exp3A_430 = math.exp %mul3A_429 : vector<16xf32>
        %add3A_431 = arith.constant 5 : i32
        %add3A_432 = vector.broadcast %add3A_431 : i32 to vector<16xi32>
        %add3A_433 = arith.addi %broadcast_in_dim3A_181, %add3A_432 : vector<16xi32>
        %mul3A_434 = arith.mulf %gather3A_421, %exp3A_430 : vector<16xf32>
        %mul3A_435 = arith.mulf %mul3A_434, %div3A_324 : vector<16xf32>
        tpu.vector_store_idx %arg19[%add3A_179, %add3A_433], %mul3A_435 : memref<1280x13xf32, #tpu.memory_space<vmem>>[vector<16xi32>, vector<16xi32>], vector<16xf32>,
        %add3A_436 = arith.constant 12 : i32
        %add3A_437 = vector.broadcast %add3A_436 : i32 to vector<16xi32>
        %add3A_438 = arith.addi %mul3A_327, %add3A_437 : vector<16xi32>
        %gather3A_439 = tpu.vector_load_idx %arg20[%add3A_438] : memref<128xf32, #tpu.memory_space<vmem>>[vector<16xi32>], vector<16xf32>,
        %add3A_440 = arith.constant 13 : i32
        %add3A_441 = vector.broadcast %add3A_440 : i32 to vector<16xi32>
        %add3A_442 = arith.addi %mul3A_327, %add3A_441 : vector<16xi32>
        %gather3A_443 = tpu.vector_load_idx %arg20[%add3A_442] : memref<128xf32, #tpu.memory_space<vmem>>[vector<16xi32>], vector<16xf32>,
        %add3A_444 = arith.constant 1.000000e+00 : f32
        %add3A_445 = vector.broadcast %add3A_444 : f32 to vector<16xf32>
        %add3A_446 = arith.addf %add3A_445, %gather3A_443 : vector<16xf32>
        %mul3A_447 = arith.mulf %sub3A_310, %add3A_446 : vector<16xf32>
        %exp3A_448 = math.exp %mul3A_447 : vector<16xf32>
        %add3A_449 = arith.constant 6 : i32
        %add3A_450 = vector.broadcast %add3A_449 : i32 to vector<16xi32>
        %add3A_451 = arith.addi %broadcast_in_dim3A_181, %add3A_450 : vector<16xi32>
        %mul3A_452 = arith.mulf %gather3A_439, %exp3A_448 : vector<16xf32>
        %mul3A_453 = arith.mulf %mul3A_452, %div3A_324 : vector<16xf32>
        tpu.vector_store_idx %arg19[%add3A_179, %add3A_451], %mul3A_453 : memref<1280x13xf32, #tpu.memory_space<vmem>>[vector<16xi32>, vector<16xi32>], vector<16xf32>,
        %add3A_454 = arith.constant 14 : i32
        %add3A_455 = vector.broadcast %add3A_454 : i32 to vector<16xi32>
        %add3A_456 = arith.addi %mul3A_327, %add3A_455 : vector<16xi32>
        %gather3A_457 = tpu.vector_load_idx %arg20[%add3A_456] : memref<128xf32, #tpu.memory_space<vmem>>[vector<16xi32>], vector<16xf32>,
        %add3A_458 = arith.constant 15 : i32
        %add3A_459 = vector.broadcast %add3A_458 : i32 to vector<16xi32>
        %add3A_460 = arith.addi %mul3A_327, %add3A_459 : vector<16xi32>
        %gather3A_461 = tpu.vector_load_idx %arg20[%add3A_460] : memref<128xf32, #tpu.memory_space<vmem>>[vector<16xi32>], vector<16xf32>,
        %add3A_462 = arith.constant 1.000000e+00 : f32
        %add3A_463 = vector.broadcast %add3A_462 : f32 to vector<16xf32>
        %add3A_464 = arith.addf %add3A_463, %gather3A_461 : vector<16xf32>
        %mul3A_465 = arith.mulf %sub3A_310, %add3A_464 : vector<16xf32>
        %exp3A_466 = math.exp %mul3A_465 : vector<16xf32>
        %add3A_467 = arith.constant 7 : i32
        %add3A_468 = vector.broadcast %add3A_467 : i32 to vector<16xi32>
        %add3A_469 = arith.addi %broadcast_in_dim3A_181, %add3A_468 : vector<16xi32>
        %mul3A_470 = arith.mulf %gather3A_457, %exp3A_466 : vector<16xf32>
        %mul3A_471 = arith.mulf %mul3A_470, %div3A_324 : vector<16xf32>
        tpu.vector_store_idx %arg19[%add3A_179, %add3A_469], %mul3A_471 : memref<1280x13xf32, #tpu.memory_space<vmem>>[vector<16xi32>, vector<16xi32>], vector<16xf32>,
        %add3A_472 = arith.constant 16 : i32
        %add3A_473 = vector.broadcast %add3A_472 : i32 to vector<16xi32>
        %add3A_474 = arith.addi %mul3A_327, %add3A_473 : vector<16xi32>
        %gather3A_475 = tpu.vector_load_idx %arg20[%add3A_474] : memref<128xf32, #tpu.memory_space<vmem>>[vector<16xi32>], vector<16xf32>,
        %add3A_476 = arith.constant 17 : i32
        %add3A_477 = vector.broadcast %add3A_476 : i32 to vector<16xi32>
        %add3A_478 = arith.addi %mul3A_327, %add3A_477 : vector<16xi32>
        %gather3A_479 = tpu.vector_load_idx %arg20[%add3A_478] : memref<128xf32, #tpu.memory_space<vmem>>[vector<16xi32>], vector<16xf32>,
        %add3A_480 = arith.constant 1.000000e+00 : f32
        %add3A_481 = vector.broadcast %add3A_480 : f32 to vector<16xf32>
        %add3A_482 = arith.addf %add3A_481, %gather3A_479 : vector<16xf32>
        %mul3A_483 = arith.mulf %sub3A_310, %add3A_482 : vector<16xf32>
        %exp3A_484 = math.exp %mul3A_483 : vector<16xf32>
        %add3A_485 = arith.constant 8 : i32
        %add3A_486 = vector.broadcast %add3A_485 : i32 to vector<16xi32>
        %add3A_487 = arith.addi %broadcast_in_dim3A_181, %add3A_486 : vector<16xi32>
        %mul3A_488 = arith.mulf %gather3A_475, %exp3A_484 : vector<16xf32>
        %mul3A_489 = arith.mulf %mul3A_488, %div3A_324 : vector<16xf32>
        tpu.vector_store_idx %arg19[%add3A_179, %add3A_487], %mul3A_489 : memref<1280x13xf32, #tpu.memory_space<vmem>>[vector<16xi32>, vector<16xi32>], vector<16xf32>,
        %add3A_490 = arith.constant 18 : i32
        %add3A_491 = vector.broadcast %add3A_490 : i32 to vector<16xi32>
        %add3A_492 = arith.addi %mul3A_327, %add3A_491 : vector<16xi32>
        %gather3A_493 = tpu.vector_load_idx %arg20[%add3A_492] : memref<128xf32, #tpu.memory_space<vmem>>[vector<16xi32>], vector<16xf32>,
        %add3A_494 = arith.constant 19 : i32
        %add3A_495 = vector.broadcast %add3A_494 : i32 to vector<16xi32>
        %add3A_496 = arith.addi %mul3A_327, %add3A_495 : vector<16xi32>
        %gather3A_497 = tpu.vector_load_idx %arg20[%add3A_496] : memref<128xf32, #tpu.memory_space<vmem>>[vector<16xi32>], vector<16xf32>,
        %add3A_498 = arith.constant 1.000000e+00 : f32
        %add3A_499 = vector.broadcast %add3A_498 : f32 to vector<16xf32>
        %add3A_500 = arith.addf %add3A_499, %gather3A_497 : vector<16xf32>
        %mul3A_501 = arith.mulf %sub3A_310, %add3A_500 : vector<16xf32>
        %exp3A_502 = math.exp %mul3A_501 : vector<16xf32>
        %add3A_503 = arith.constant 9 : i32
        %add3A_504 = vector.broadcast %add3A_503 : i32 to vector<16xi32>
        %add3A_505 = arith.addi %broadcast_in_dim3A_181, %add3A_504 : vector<16xi32>
        %mul3A_506 = arith.mulf %gather3A_493, %exp3A_502 : vector<16xf32>
        %mul3A_507 = arith.mulf %mul3A_506, %div3A_324 : vector<16xf32>
        tpu.vector_store_idx %arg19[%add3A_179, %add3A_505], %mul3A_507 : memref<1280x13xf32, #tpu.memory_space<vmem>>[vector<16xi32>, vector<16xi32>], vector<16xf32>,
        %add3A_508 = arith.constant 20 : i32
        %add3A_509 = vector.broadcast %add3A_508 : i32 to vector<16xi32>
        %add3A_510 = arith.addi %mul3A_327, %add3A_509 : vector<16xi32>
        %gather3A_511 = tpu.vector_load_idx %arg20[%add3A_510] : memref<128xf32, #tpu.memory_space<vmem>>[vector<16xi32>], vector<16xf32>,
        %add3A_512 = arith.constant 21 : i32
        %add3A_513 = vector.broadcast %add3A_512 : i32 to vector<16xi32>
        %add3A_514 = arith.addi %mul3A_327, %add3A_513 : vector<16xi32>
        %gather3A_515 = tpu.vector_load_idx %arg20[%add3A_514] : memref<128xf32, #tpu.memory_space<vmem>>[vector<16xi32>], vector<16xf32>,
        %add3A_516 = arith.constant 1.000000e+00 : f32
        %add3A_517 = vector.broadcast %add3A_516 : f32 to vector<16xf32>
        %add3A_518 = arith.addf %add3A_517, %gather3A_515 : vector<16xf32>
        %mul3A_519 = arith.mulf %sub3A_310, %add3A_518 : vector<16xf32>
        %exp3A_520 = math.exp %mul3A_519 : vector<16xf32>
        %add3A_521 = arith.constant 10 : i32
        %add3A_522 = vector.broadcast %add3A_521 : i32 to vector<16xi32>
        %add3A_523 = arith.addi %broadcast_in_dim3A_181, %add3A_522 : vector<16xi32>
        %mul3A_524 = arith.mulf %gather3A_511, %exp3A_520 : vector<16xf32>
        %mul3A_525 = arith.mulf %mul3A_524, %div3A_324 : vector<16xf32>
        tpu.vector_store_idx %arg19[%add3A_179, %add3A_523], %mul3A_525 : memref<1280x13xf32, #tpu.memory_space<vmem>>[vector<16xi32>, vector<16xi32>], vector<16xf32>,
        %add3A_526 = arith.constant 22 : i32
        %add3A_527 = vector.broadcast %add3A_526 : i32 to vector<16xi32>
        %add3A_528 = arith.addi %mul3A_327, %add3A_527 : vector<16xi32>
        %gather3A_529 = tpu.vector_load_idx %arg20[%add3A_528] : memref<128xf32, #tpu.memory_space<vmem>>[vector<16xi32>], vector<16xf32>,
        %add3A_530 = arith.constant 23 : i32
        %add3A_531 = vector.broadcast %add3A_530 : i32 to vector<16xi32>
        %add3A_532 = arith.addi %mul3A_327, %add3A_531 : vector<16xi32>
        %gather3A_533 = tpu.vector_load_idx %arg20[%add3A_532] : memref<128xf32, #tpu.memory_space<vmem>>[vector<16xi32>], vector<16xf32>,
        %add3A_534 = arith.constant 1.000000e+00 : f32
        %add3A_535 = vector.broadcast %add3A_534 : f32 to vector<16xf32>
        %add3A_536 = arith.addf %add3A_535, %gather3A_533 : vector<16xf32>
        %mul3A_537 = arith.mulf %sub3A_310, %add3A_536 : vector<16xf32>
        %exp3A_538 = math.exp %mul3A_537 : vector<16xf32>
        %add3A_539 = arith.constant 11 : i32
        %add3A_540 = vector.broadcast %add3A_539 : i32 to vector<16xi32>
        %add3A_541 = arith.addi %broadcast_in_dim3A_181, %add3A_540 : vector<16xi32>
        %mul3A_542 = arith.mulf %gather3A_529, %exp3A_538 : vector<16xf32>
        %mul3A_543 = arith.mulf %mul3A_542, %div3A_324 : vector<16xf32>
        tpu.vector_store_idx %arg19[%add3A_179, %add3A_541], %mul3A_543 : memref<1280x13xf32, #tpu.memory_space<vmem>>[vector<16xi32>, vector<16xi32>], vector<16xf32>,
        %add3A_544 = arith.constant 24 : i32
        %add3A_545 = vector.broadcast %add3A_544 : i32 to vector<16xi32>
        %add3A_546 = arith.addi %mul3A_327, %add3A_545 : vector<16xi32>
        %gather3A_547 = tpu.vector_load_idx %arg20[%add3A_546] : memref<128xf32, #tpu.memory_space<vmem>>[vector<16xi32>], vector<16xf32>,
        %add3A_548 = arith.constant 25 : i32
        %add3A_549 = vector.broadcast %add3A_548 : i32 to vector<16xi32>
        %add3A_550 = arith.addi %mul3A_327, %add3A_549 : vector<16xi32>
        %gather3A_551 = tpu.vector_load_idx %arg20[%add3A_550] : memref<128xf32, #tpu.memory_space<vmem>>[vector<16xi32>], vector<16xf32>,
        %add3A_552 = arith.constant 1.000000e+00 : f32
        %add3A_553 = vector.broadcast %add3A_552 : f32 to vector<16xf32>
        %add3A_554 = arith.addf %add3A_553, %gather3A_551 : vector<16xf32>
        %mul3A_555 = arith.mulf %sub3A_310, %add3A_554 : vector<16xf32>
        %exp3A_556 = math.exp %mul3A_555 : vector<16xf32>
        %add3A_557 = arith.constant 12 : i32
        %add3A_558 = vector.broadcast %add3A_557 : i32 to vector<16xi32>
        %add3A_559 = arith.addi %broadcast_in_dim3A_181, %add3A_558 : vector<16xi32>
        %mul3A_560 = arith.mulf %gather3A_547, %exp3A_556 : vector<16xf32>
        %mul3A_561 = arith.mulf %mul3A_560, %div3A_324 : vector<16xf32>
        tpu.vector_store_idx %arg19[%add3A_179, %add3A_559], %mul3A_561 : memref<1280x13xf32, #tpu.memory_space<vmem>>[vector<16xi32>, vector<16xi32>], vector<16xf32>,
      }
      %scan3A_174 = arith.constant 80 : i32
      "tpu.region"() ({
        %run_scoped3A = tpu.sem_alloc : memref<!tpu.dma_semaphore, #tpu.memory_space<semaphore_mem>>
        %dma_start3A_175 = arith.constant 0 : i32
        %dma_start3A_176 = tpu.memref_slice %arg9[%mul3A_152, %dma_start3A_175] : memref<1600000x13xf32, #tpu.memory_space<hbm>> -> memref<1280x13xf32, #tpu.memory_space<hbm>>
        %dma_start3A_177 = arith.constant 0 : i32
        %dma_start3A_178 = tpu.memref_slice %arg9[%mul3A_152, %dma_start3A_177] : memref<1600000x13xf32, #tpu.memory_space<hbm>> -> memref<1280x13xf32, #tpu.memory_space<hbm>>
        tpu.enqueue_dma source(%arg19 : memref<1280x13xf32, #tpu.memory_space<vmem>>) target(%dma_start3A_178 : memref<1280x13xf32, #tpu.memory_space<hbm>>) target_semaphore(%run_scoped3A : memref<!tpu.dma_semaphore, #tpu.memory_space<semaphore_mem>>)
        %dma_wait3A_179 = arith.constant 0 : i32
        %dma_wait3A_180 = tpu.memref_slice %arg9[%mul3A_152, %dma_wait3A_179] : memref<1600000x13xf32, #tpu.memory_space<hbm>> -> memref<1280x13xf32, #tpu.memory_space<hbm>>
        %dma_wait3A_181 = arith.constant 0 : i32
        %dma_wait3A_182 = tpu.memref_slice %arg9[%mul3A_152, %dma_wait3A_181] : memref<1600000x13xf32, #tpu.memory_space<hbm>> -> memref<1280x13xf32, #tpu.memory_space<hbm>>
        tpu.wait_dma2 semaphore(%run_scoped3A : memref<!tpu.dma_semaphore, #tpu.memory_space<semaphore_mem>>) src(%arg19 : memref<1280x13xf32, #tpu.memory_space<vmem>>) dst(%dma_wait3A_182 : memref<1280x13xf32, #tpu.memory_space<hbm>>)
        tpu.yield
      }) : () -> ()
    }
    %while3A_106 = arith.constant 1 : i32
    scf.for %while3A_147 = %while3A_104 to %while3A_100 step %while3A_106  : i32 {
      %mul3A_148 = arith.constant 32 : i32
      %mul3A_149 = arith.muli %while3A_147, %mul3A_148 : i32
      %add3A_150 = arith.addi %add3A, %mul3A_149 : i32
      %mul3A_151 = arith.constant 1280 : i32
      %mul3A_152 = arith.muli %add3A_150, %mul3A_151 : i32
      "tpu.region"() ({
        %run_scoped3A = tpu.sem_alloc : memref<!tpu.dma_semaphore, #tpu.memory_space<semaphore_mem>>
        %dma_start3A_175 = tpu.memref_slice %arg3[%mul3A_152] : memref<1600000xi32, #tpu.memory_space<hbm>> -> memref<1280xi32, #tpu.memory_space<hbm>>
        %dma_start3A_176 = tpu.memref_slice %arg3[%mul3A_152] : memref<1600000xi32, #tpu.memory_space<hbm>> -> memref<1280xi32, #tpu.memory_space<hbm>>
        tpu.enqueue_dma source(%dma_start3A_176 : memref<1280xi32, #tpu.memory_space<hbm>>) target(%arg11 : memref<1280xi32, #tpu.memory_space<vmem>>) target_semaphore(%run_scoped3A : memref<!tpu.dma_semaphore, #tpu.memory_space<semaphore_mem>>)
        %dma_wait3A_177 = tpu.memref_slice %arg3[%mul3A_152] : memref<1600000xi32, #tpu.memory_space<hbm>> -> memref<1280xi32, #tpu.memory_space<hbm>>
        %dma_wait3A_178 = tpu.memref_slice %arg3[%mul3A_152] : memref<1600000xi32, #tpu.memory_space<hbm>> -> memref<1280xi32, #tpu.memory_space<hbm>>
        tpu.wait_dma2 semaphore(%run_scoped3A : memref<!tpu.dma_semaphore, #tpu.memory_space<semaphore_mem>>) src(%dma_wait3A_178 : memref<1280xi32, #tpu.memory_space<hbm>>) dst(%arg11 : memref<1280xi32, #tpu.memory_space<vmem>>)
        tpu.yield
      }) : () -> ()
      "tpu.region"() ({
        %run_scoped3A = tpu.sem_alloc : memref<!tpu.dma_semaphore, #tpu.memory_space<semaphore_mem>>
        %dma_start3A_175 = tpu.memref_slice %arg4[%mul3A_152] : memref<1600000xi32, #tpu.memory_space<hbm>> -> memref<1280xi32, #tpu.memory_space<hbm>>
        %dma_start3A_176 = tpu.memref_slice %arg4[%mul3A_152] : memref<1600000xi32, #tpu.memory_space<hbm>> -> memref<1280xi32, #tpu.memory_space<hbm>>
        tpu.enqueue_dma source(%dma_start3A_176 : memref<1280xi32, #tpu.memory_space<hbm>>) target(%arg12 : memref<1280xi32, #tpu.memory_space<vmem>>) target_semaphore(%run_scoped3A : memref<!tpu.dma_semaphore, #tpu.memory_space<semaphore_mem>>)
        %dma_wait3A_177 = tpu.memref_slice %arg4[%mul3A_152] : memref<1600000xi32, #tpu.memory_space<hbm>> -> memref<1280xi32, #tpu.memory_space<hbm>>
        %dma_wait3A_178 = tpu.memref_slice %arg4[%mul3A_152] : memref<1600000xi32, #tpu.memory_space<hbm>> -> memref<1280xi32, #tpu.memory_space<hbm>>
        tpu.wait_dma2 semaphore(%run_scoped3A : memref<!tpu.dma_semaphore, #tpu.memory_space<semaphore_mem>>) src(%dma_wait3A_178 : memref<1280xi32, #tpu.memory_space<hbm>>) dst(%arg12 : memref<1280xi32, #tpu.memory_space<vmem>>)
        tpu.yield
      }) : () -> ()
      %scan3A_153 = arith.constant 0 : i32
      %scan3A_154 = arith.constant 0 : i32
      %scan3A_155 = arith.constant 80 : i32
      %scan3A_156 = arith.addi %scan3A_154, %scan3A_155 : i32
      %scan3A_157 = arith.constant 1 : i32
      scf.for %scan3A_175 = %scan3A_154 to %scan3A_156 step %scan3A_157  : i32 {
        %mul3A_176 = arith.constant 16 : i32
        %mul3A_177 = arith.muli %scan3A_175, %mul3A_176 : i32
        %add3A_178 = vector.broadcast %mul3A_177 : i32 to vector<16xi32>
        %add3A_179 = arith.addi %add3A_178, %iota3A : vector<16xi32>
        %mul3A_180 = arith.constant 2 : i32
        %mul3A_181 = vector.broadcast %mul3A_180 : i32 to vector<16xi32>
        %mul3A_182 = arith.muli %add3A_179, %mul3A_181 : vector<16xi32>
        %mul3A_183 = arith.constant 16 : i32
        %mul3A_184 = arith.muli %scan3A_175, %mul3A_183 : i32
        %get3A = arith.index_cast %mul3A_184 : i32 to index
        %get3A_185 = tpu.vector_load %arg11[%get3A] {strides = array<i32>} : memref<1280xi32, #tpu.memory_space<vmem>>, vector<16xi32>,
        %mul3A_186 = arith.constant 2 : i32
        %mul3A_187 = vector.broadcast %mul3A_186 : i32 to vector<16xi32>
        %mul3A_188 = arith.muli %get3A_185, %mul3A_187 : vector<16xi32>
        tpu.vector_store_idx %arg13[%mul3A_182], %mul3A_188 : memref<2560xi32, #tpu.memory_space<vmem>>[vector<16xi32>], vector<16xi32>,
        %mul3A_189 = arith.constant 16 : i32
        %mul3A_190 = arith.muli %scan3A_175, %mul3A_189 : i32
        %get3A_191 = arith.index_cast %mul3A_190 : i32 to index
        %get3A_192 = tpu.vector_load %arg12[%get3A_191] {strides = array<i32>} : memref<1280xi32, #tpu.memory_space<vmem>>, vector<16xi32>,
        %mul3A_193 = arith.constant 2 : i32
        %mul3A_194 = vector.broadcast %mul3A_193 : i32 to vector<16xi32>
        %mul3A_195 = arith.muli %get3A_192, %mul3A_194 : vector<16xi32>
        tpu.vector_store_idx %arg15[%mul3A_182], %mul3A_195 : memref<2560xi32, #tpu.memory_space<vmem>>[vector<16xi32>], vector<16xi32>,
      }
      %scan3A_158 = arith.constant 80 : i32
      %dma_start3A = arith.constant 0 : i32
      %dma_start3A_159 = arith.constant 0 : i32
      %dma_start3A_160 = tpu.memref_slice %arg2[%dma_start3A, %dma_start3A_159] : memref<100000x4xf32, #tpu.memory_space<hbm>> -> memref<100000x4xf32, #tpu.memory_space<hbm>>
      tpu.enqueue_indirect_dma source(%dma_start3A_160 : memref<100000x4xf32, #tpu.memory_space<hbm>>) target(%arg17 : memref<2560x4xf32, #tpu.memory_space<vmem>>) offsets(%arg13 : memref<2560xi32, #tpu.memory_space<vmem>>) semaphore(%arg26 : memref<!tpu.dma_semaphore, #tpu.memory_space<semaphore_mem>>)
      %dma_start3A_161 = arith.constant 0 : i32
      %dma_start3A_162 = arith.constant 0 : i32
      %dma_start3A_163 = tpu.memref_slice %arg2[%dma_start3A_161, %dma_start3A_162] : memref<100000x4xf32, #tpu.memory_space<hbm>> -> memref<100000x4xf32, #tpu.memory_space<hbm>>
      tpu.enqueue_indirect_dma source(%dma_start3A_163 : memref<100000x4xf32, #tpu.memory_space<hbm>>) target(%arg18 : memref<2560x4xf32, #tpu.memory_space<vmem>>) offsets(%arg15 : memref<2560xi32, #tpu.memory_space<vmem>>) semaphore(%arg27 : memref<!tpu.dma_semaphore, #tpu.memory_space<semaphore_mem>>)
      %dma_wait3A = arith.constant 0 : i32
      %dma_wait3A_164 = arith.constant 0 : i32
      %dma_wait3A_165 = tpu.memref_slice %arg2[%dma_wait3A, %dma_wait3A_164] : memref<100000x4xf32, #tpu.memory_space<hbm>> -> memref<100000x4xf32, #tpu.memory_space<hbm>>
      tpu.wait_indirect_dma semaphore(%arg26 : memref<!tpu.dma_semaphore, #tpu.memory_space<semaphore_mem>>) src(%dma_wait3A_165 : memref<100000x4xf32, #tpu.memory_space<hbm>>) dst(%arg17 : memref<2560x4xf32, #tpu.memory_space<vmem>>)
      %dma_wait3A_166 = arith.constant 0 : i32
      %dma_wait3A_167 = arith.constant 0 : i32
      %dma_wait3A_168 = tpu.memref_slice %arg2[%dma_wait3A_166, %dma_wait3A_167] : memref<100000x4xf32, #tpu.memory_space<hbm>> -> memref<100000x4xf32, #tpu.memory_space<hbm>>
      tpu.wait_indirect_dma semaphore(%arg27 : memref<!tpu.dma_semaphore, #tpu.memory_space<semaphore_mem>>) src(%dma_wait3A_168 : memref<100000x4xf32, #tpu.memory_space<hbm>>) dst(%arg18 : memref<2560x4xf32, #tpu.memory_space<vmem>>)
      %scan3A_169 = arith.constant 0 : i32
      %scan3A_170 = arith.constant 0 : i32
      %scan3A_171 = arith.constant 80 : i32
      %scan3A_172 = arith.addi %scan3A_170, %scan3A_171 : i32
      %scan3A_173 = arith.constant 1 : i32
      scf.for %scan3A_175 = %scan3A_170 to %scan3A_172 step %scan3A_173  : i32 {
        %mul3A_176 = arith.constant 16 : i32
        %mul3A_177 = arith.muli %scan3A_175, %mul3A_176 : i32
        %add3A_178 = vector.broadcast %mul3A_177 : i32 to vector<16xi32>
        %add3A_179 = arith.addi %add3A_178, %iota3A : vector<16xi32>
        %broadcast_in_dim3A_180 = arith.constant 0 : i32
        %broadcast_in_dim3A_181 = vector.broadcast %broadcast_in_dim3A_180 : i32 to vector<16xi32>
        %gather3A_182 = tpu.vector_load_idx %arg17[%add3A_179, %broadcast_in_dim3A_181] : memref<2560x4xf32, #tpu.memory_space<vmem>>[vector<16xi32>, vector<16xi32>], vector<16xf32>,
        %add3A_183 = arith.constant 1 : i32
        %add3A_184 = vector.broadcast %add3A_183 : i32 to vector<16xi32>
        %add3A_185 = arith.addi %broadcast_in_dim3A_181, %add3A_184 : vector<16xi32>
        %gather3A_186 = tpu.vector_load_idx %arg17[%add3A_179, %add3A_185] : memref<2560x4xf32, #tpu.memory_space<vmem>>[vector<16xi32>, vector<16xi32>], vector<16xf32>,
        %add3A_187 = arith.constant 2 : i32
        %add3A_188 = vector.broadcast %add3A_187 : i32 to vector<16xi32>
        %add3A_189 = arith.addi %broadcast_in_dim3A_181, %add3A_188 : vector<16xi32>
        %gather3A_190 = tpu.vector_load_idx %arg17[%add3A_179, %add3A_189] : memref<2560x4xf32, #tpu.memory_space<vmem>>[vector<16xi32>, vector<16xi32>], vector<16xf32>,
        %add3A_191 = arith.constant 3 : i32
        %add3A_192 = vector.broadcast %add3A_191 : i32 to vector<16xi32>
        %add3A_193 = arith.addi %broadcast_in_dim3A_181, %add3A_192 : vector<16xi32>
        %gather3A_194 = tpu.vector_load_idx %arg17[%add3A_179, %add3A_193] : memref<2560x4xf32, #tpu.memory_space<vmem>>[vector<16xi32>, vector<16xi32>], vector<16xf32>,
        %gather3A_195 = tpu.vector_load_idx %arg18[%add3A_179, %broadcast_in_dim3A_181] : memref<2560x4xf32, #tpu.memory_space<vmem>>[vector<16xi32>, vector<16xi32>], vector<16xf32>,
        %add3A_196 = arith.constant 1 : i32
        %add3A_197 = vector.broadcast %add3A_196 : i32 to vector<16xi32>
        %add3A_198 = arith.addi %broadcast_in_dim3A_181, %add3A_197 : vector<16xi32>
        %gather3A_199 = tpu.vector_load_idx %arg18[%add3A_179, %add3A_198] : memref<2560x4xf32, #tpu.memory_space<vmem>>[vector<16xi32>, vector<16xi32>], vector<16xf32>,
        %add3A_200 = arith.constant 2 : i32
        %add3A_201 = vector.broadcast %add3A_200 : i32 to vector<16xi32>
        %add3A_202 = arith.addi %broadcast_in_dim3A_181, %add3A_201 : vector<16xi32>
        %gather3A_203 = tpu.vector_load_idx %arg18[%add3A_179, %add3A_202] : memref<2560x4xf32, #tpu.memory_space<vmem>>[vector<16xi32>, vector<16xi32>], vector<16xf32>,
        %add3A_204 = arith.constant 3 : i32
        %add3A_205 = vector.broadcast %add3A_204 : i32 to vector<16xi32>
        %add3A_206 = arith.addi %broadcast_in_dim3A_181, %add3A_205 : vector<16xi32>
        %gather3A_207 = tpu.vector_load_idx %arg18[%add3A_179, %add3A_206] : memref<2560x4xf32, #tpu.memory_space<vmem>>[vector<16xi32>, vector<16xi32>], vector<16xf32>,
        %sub3A_208 = arith.subf %gather3A_195, %gather3A_182 : vector<16xf32>
        %sub3A_209 = arith.subf %gather3A_199, %gather3A_186 : vector<16xf32>
        %sub3A_210 = arith.subf %gather3A_203, %gather3A_190 : vector<16xf32>
        %mul3A_211 = arith.mulf %sub3A_208, %sub3A_208 : vector<16xf32>
        %mul3A_212 = arith.mulf %sub3A_209, %sub3A_209 : vector<16xf32>
        %add3A_213 = arith.addf %mul3A_211, %mul3A_212 : vector<16xf32>
        %mul3A_214 = arith.mulf %sub3A_210, %sub3A_210 : vector<16xf32>
        %add3A_215 = arith.addf %add3A_213, %mul3A_214 : vector<16xf32>
        %add3A_216 = arith.constant 9.99999996E-13 : f32
        %add3A_217 = vector.broadcast %add3A_216 : f32 to vector<16xf32>
        %add3A_218 = arith.addf %add3A_215, %add3A_217 : vector<16xf32>
        %bitcast3A_219 = vector.bitcast %add3A_218 : vector<16xf32> to vector<16xi32>
        %shift_right_arithmetic3A_220 = arith.constant 1 : i32
        %shift_right_arithmetic3A_221 = vector.broadcast %shift_right_arithmetic3A_220 : i32 to vector<16xi32>
        %shift_right_arithmetic3A_222 = arith.shrsi %bitcast3A_219, %shift_right_arithmetic3A_221 : vector<16xi32>
        %sub3A_223 = arith.constant 1597463007 : i32
        %sub3A_224 = vector.broadcast %sub3A_223 : i32 to vector<16xi32>
        %sub3A_225 = arith.subi %sub3A_224, %shift_right_arithmetic3A_222 : vector<16xi32>
        %bitcast3A_226 = vector.bitcast %sub3A_225 : vector<16xi32> to vector<16xf32>
        %mul3A_227 = arith.constant 5.000000e-01 : f32
        %mul3A_228 = vector.broadcast %mul3A_227 : f32 to vector<16xf32>
        %mul3A_229 = arith.mulf %mul3A_228, %add3A_218 : vector<16xf32>
        %mul3A_230 = arith.mulf %mul3A_229, %bitcast3A_226 : vector<16xf32>
        %mul3A_231 = arith.mulf %mul3A_230, %bitcast3A_226 : vector<16xf32>
        %sub3A_232 = arith.constant 1.500000e+00 : f32
        %sub3A_233 = vector.broadcast %sub3A_232 : f32 to vector<16xf32>
        %sub3A_234 = arith.subf %sub3A_233, %mul3A_231 : vector<16xf32>
        %mul3A_235 = arith.mulf %bitcast3A_226, %sub3A_234 : vector<16xf32>
        %mul3A_236 = arith.mulf %mul3A_229, %mul3A_235 : vector<16xf32>
        %mul3A_237 = arith.mulf %mul3A_236, %mul3A_235 : vector<16xf32>
        %sub3A_238 = arith.constant 1.500000e+00 : f32
        %sub3A_239 = vector.broadcast %sub3A_238 : f32 to vector<16xf32>
        %sub3A_240 = arith.subf %sub3A_239, %mul3A_237 : vector<16xf32>
        %mul3A_241 = arith.mulf %mul3A_235, %sub3A_240 : vector<16xf32>
        %mul3A_242 = arith.mulf %mul3A_229, %mul3A_241 : vector<16xf32>
        %mul3A_243 = arith.mulf %mul3A_242, %mul3A_241 : vector<16xf32>
        %sub3A_244 = arith.constant 1.500000e+00 : f32
        %sub3A_245 = vector.broadcast %sub3A_244 : f32 to vector<16xf32>
        %sub3A_246 = arith.subf %sub3A_245, %mul3A_243 : vector<16xf32>
        %mul3A_247 = arith.mulf %mul3A_241, %sub3A_246 : vector<16xf32>
        %mul3A_248 = arith.mulf %add3A_218, %mul3A_247 : vector<16xf32>
        %bitcast3A_249 = vector.bitcast %add3A_218 : vector<16xf32> to vector<16xi32>
        %shift_right_arithmetic3A_250 = arith.constant 23 : i32
        %shift_right_arithmetic3A_251 = vector.broadcast %shift_right_arithmetic3A_250 : i32 to vector<16xi32>
        %shift_right_arithmetic3A_252 = arith.shrsi %bitcast3A_249, %shift_right_arithmetic3A_251 : vector<16xi32>
        %sub3A_253 = arith.constant 127 : i32
        %sub3A_254 = vector.broadcast %sub3A_253 : i32 to vector<16xi32>
        %sub3A_255 = arith.subi %shift_right_arithmetic3A_252, %sub3A_254 : vector<16xi32>
        %and3A_256 = arith.constant 8388607 : i32
        %and3A_257 = vector.broadcast %and3A_256 : i32 to vector<16xi32>
        %and3A_258 = arith.andi %bitcast3A_249, %and3A_257 : vector<16xi32>
        %or3A_259 = arith.constant 1065353216 : i32
        %or3A_260 = vector.broadcast %or3A_259 : i32 to vector<16xi32>
        %or3A_261 = arith.ori %and3A_258, %or3A_260 : vector<16xi32>
        %bitcast3A_262 = vector.bitcast %or3A_261 : vector<16xi32> to vector<16xf32>
        %gt3A_263 = arith.constant 1.41421354 : f32
        %gt3A_264 = vector.broadcast %gt3A_263 : f32 to vector<16xf32>
        %gt3A_265 = arith.cmpf ogt, %bitcast3A_262, %gt3A_264 : vector<16xf32>
        %mul3A_266 = arith.constant 5.000000e-01 : f32
        %mul3A_267 = vector.broadcast %mul3A_266 : f32 to vector<16xf32>
        %mul3A_268 = arith.mulf %bitcast3A_262, %mul3A_267 : vector<16xf32>
        %select_n3A_269 = arith.select %gt3A_265, %mul3A_268, %bitcast3A_262 : vector<16xi1>, vector<16xf32>
        %jit3A_270 = arith.constant 1 : i32
        %jit3A_271 = arith.constant 0 : i32
        %broadcast_in_dim3A_272 = vector.broadcast %jit3A_270 : i32 to vector<16xi32>
        %broadcast_in_dim3A_273 = vector.broadcast %jit3A_271 : i32 to vector<16xi32>
        %select_n3A_274 = arith.select %gt3A_265, %broadcast_in_dim3A_272, %broadcast_in_dim3A_273 : vector<16xi1>, vector<16xi32>
        %add3A_275 = arith.addi %sub3A_255, %select_n3A_274 : vector<16xi32>
        %convert_element_type3A_276 = arith.sitofp %add3A_275 : vector<16xi32> to vector<16xf32>
        %sub3A_277 = arith.constant 1.000000e+00 : f32
        %sub3A_278 = vector.broadcast %sub3A_277 : f32 to vector<16xf32>
        %sub3A_279 = arith.subf %select_n3A_269, %sub3A_278 : vector<16xf32>
        %add3A_280 = arith.constant 1.000000e+00 : f32
        %add3A_281 = vector.broadcast %add3A_280 : f32 to vector<16xf32>
        %add3A_282 = arith.addf %select_n3A_269, %add3A_281 : vector<16xf32>
        %div3A_283 = arith.divf %sub3A_279, %add3A_282 : vector<16xf32>
        %mul3A_284 = arith.mulf %div3A_283, %div3A_283 : vector<16xf32>
        %mul3A_285 = arith.constant 0.285714298 : f32
        %mul3A_286 = vector.broadcast %mul3A_285 : f32 to vector<16xf32>
        %mul3A_287 = arith.mulf %mul3A_284, %mul3A_286 : vector<16xf32>
        %add3A_288 = arith.constant 4.000000e-01 : f32
        %add3A_289 = vector.broadcast %add3A_288 : f32 to vector<16xf32>
        %add3A_290 = arith.addf %add3A_289, %mul3A_287 : vector<16xf32>
        %mul3A_291 = arith.mulf %mul3A_284, %add3A_290 : vector<16xf32>
        %add3A_292 = arith.constant 0.666666686 : f32
        %add3A_293 = vector.broadcast %add3A_292 : f32 to vector<16xf32>
        %add3A_294 = arith.addf %add3A_293, %mul3A_291 : vector<16xf32>
        %mul3A_295 = arith.mulf %mul3A_284, %add3A_294 : vector<16xf32>
        %add3A_296 = arith.constant 2.000000e+00 : f32
        %add3A_297 = vector.broadcast %add3A_296 : f32 to vector<16xf32>
        %add3A_298 = arith.addf %add3A_297, %mul3A_295 : vector<16xf32>
        %mul3A_299 = arith.mulf %div3A_283, %add3A_298 : vector<16xf32>
        %mul3A_300 = arith.constant 0.693147182 : f32
        %mul3A_301 = vector.broadcast %mul3A_300 : f32 to vector<16xf32>
        %mul3A_302 = arith.mulf %convert_element_type3A_276, %mul3A_301 : vector<16xf32>
        %add3A_303 = arith.addf %mul3A_302, %mul3A_299 : vector<16xf32>
        %add3A_304 = arith.addf %gather3A_194, %gather3A_207 : vector<16xf32>
        %convert_element_type3A_305 = arith.fptosi %add3A_304 : vector<16xf32> to vector<16xi32>
        %gather3A_306 = tpu.vector_load_idx %arg22[%convert_element_type3A_305] : memref<128xf32, #tpu.memory_space<vmem>>[vector<16xi32>], vector<16xf32>,
        %mul3A_307 = arith.constant 5.000000e-01 : f32
        %mul3A_308 = vector.broadcast %mul3A_307 : f32 to vector<16xf32>
        %mul3A_309 = arith.mulf %mul3A_308, %add3A_303 : vector<16xf32>
        %sub3A_310 = arith.subf %gather3A_306, %mul3A_309 : vector<16xf32>
        %sub3A_311 = arith.constant 6.000000e+00 : f32
        %sub3A_312 = vector.broadcast %sub3A_311 : f32 to vector<16xf32>
        %sub3A_313 = arith.subf %mul3A_248, %sub3A_312 : vector<16xf32>
        %mul3A_314 = arith.constant 5.000000e+00 : f32
        %mul3A_315 = vector.broadcast %mul3A_314 : f32 to vector<16xf32>
        %mul3A_316 = arith.mulf %sub3A_313, %mul3A_315 : vector<16xf32>
        %min3A = arith.constant 8.500000e+01 : f32
        %min3A_317 = vector.broadcast %min3A : f32 to vector<16xf32>
        %min3A_318 = arith.minimumf %mul3A_316, %min3A_317 : vector<16xf32>
        %exp3A = math.exp %min3A_318 : vector<16xf32>
        %add3A_319 = arith.constant 1.000000e+00 : f32
        %add3A_320 = vector.broadcast %add3A_319 : f32 to vector<16xf32>
        %add3A_321 = arith.addf %add3A_320, %exp3A : vector<16xf32>
        %div3A_322 = arith.constant 1.000000e+00 : f32
        %div3A_323 = vector.broadcast %div3A_322 : f32 to vector<16xf32>
        %div3A_324 = arith.divf %div3A_323, %add3A_321 : vector<16xf32>
        %mul3A_325 = arith.constant 26 : i32
        %mul3A_326 = vector.broadcast %mul3A_325 : i32 to vector<16xi32>
        %mul3A_327 = arith.muli %convert_element_type3A_305, %mul3A_326 : vector<16xi32>
        %add3A_328 = arith.constant 0 : i32
        %add3A_329 = vector.broadcast %add3A_328 : i32 to vector<16xi32>
        %add3A_330 = arith.addi %mul3A_327, %add3A_329 : vector<16xi32>
        %gather3A_331 = tpu.vector_load_idx %arg20[%add3A_330] : memref<128xf32, #tpu.memory_space<vmem>>[vector<16xi32>], vector<16xf32>,
        %add3A_332 = arith.constant 1 : i32
        %add3A_333 = vector.broadcast %add3A_332 : i32 to vector<16xi32>
        %add3A_334 = arith.addi %mul3A_327, %add3A_333 : vector<16xi32>
        %gather3A_335 = tpu.vector_load_idx %arg20[%add3A_334] : memref<128xf32, #tpu.memory_space<vmem>>[vector<16xi32>], vector<16xf32>,
        %add3A_336 = arith.constant 1.000000e+00 : f32
        %add3A_337 = vector.broadcast %add3A_336 : f32 to vector<16xf32>
        %add3A_338 = arith.addf %add3A_337, %gather3A_335 : vector<16xf32>
        %mul3A_339 = arith.mulf %sub3A_310, %add3A_338 : vector<16xf32>
        %exp3A_340 = math.exp %mul3A_339 : vector<16xf32>
        %add3A_341 = arith.constant 0 : i32
        %add3A_342 = vector.broadcast %add3A_341 : i32 to vector<16xi32>
        %add3A_343 = arith.addi %broadcast_in_dim3A_181, %add3A_342 : vector<16xi32>
        %mul3A_344 = arith.mulf %gather3A_331, %exp3A_340 : vector<16xf32>
        %mul3A_345 = arith.mulf %mul3A_344, %div3A_324 : vector<16xf32>
        tpu.vector_store_idx %arg19[%add3A_179, %add3A_343], %mul3A_345 : memref<1280x13xf32, #tpu.memory_space<vmem>>[vector<16xi32>, vector<16xi32>], vector<16xf32>,
        %add3A_346 = arith.constant 2 : i32
        %add3A_347 = vector.broadcast %add3A_346 : i32 to vector<16xi32>
        %add3A_348 = arith.addi %mul3A_327, %add3A_347 : vector<16xi32>
        %gather3A_349 = tpu.vector_load_idx %arg20[%add3A_348] : memref<128xf32, #tpu.memory_space<vmem>>[vector<16xi32>], vector<16xf32>,
        %add3A_350 = arith.constant 3 : i32
        %add3A_351 = vector.broadcast %add3A_350 : i32 to vector<16xi32>
        %add3A_352 = arith.addi %mul3A_327, %add3A_351 : vector<16xi32>
        %gather3A_353 = tpu.vector_load_idx %arg20[%add3A_352] : memref<128xf32, #tpu.memory_space<vmem>>[vector<16xi32>], vector<16xf32>,
        %add3A_354 = arith.constant 1.000000e+00 : f32
        %add3A_355 = vector.broadcast %add3A_354 : f32 to vector<16xf32>
        %add3A_356 = arith.addf %add3A_355, %gather3A_353 : vector<16xf32>
        %mul3A_357 = arith.mulf %sub3A_310, %add3A_356 : vector<16xf32>
        %exp3A_358 = math.exp %mul3A_357 : vector<16xf32>
        %add3A_359 = arith.constant 1 : i32
        %add3A_360 = vector.broadcast %add3A_359 : i32 to vector<16xi32>
        %add3A_361 = arith.addi %broadcast_in_dim3A_181, %add3A_360 : vector<16xi32>
        %mul3A_362 = arith.mulf %gather3A_349, %exp3A_358 : vector<16xf32>
        %mul3A_363 = arith.mulf %mul3A_362, %div3A_324 : vector<16xf32>
        tpu.vector_store_idx %arg19[%add3A_179, %add3A_361], %mul3A_363 : memref<1280x13xf32, #tpu.memory_space<vmem>>[vector<16xi32>, vector<16xi32>], vector<16xf32>,
        %add3A_364 = arith.constant 4 : i32
        %add3A_365 = vector.broadcast %add3A_364 : i32 to vector<16xi32>
        %add3A_366 = arith.addi %mul3A_327, %add3A_365 : vector<16xi32>
        %gather3A_367 = tpu.vector_load_idx %arg20[%add3A_366] : memref<128xf32, #tpu.memory_space<vmem>>[vector<16xi32>], vector<16xf32>,
        %add3A_368 = arith.constant 5 : i32
        %add3A_369 = vector.broadcast %add3A_368 : i32 to vector<16xi32>
        %add3A_370 = arith.addi %mul3A_327, %add3A_369 : vector<16xi32>
        %gather3A_371 = tpu.vector_load_idx %arg20[%add3A_370] : memref<128xf32, #tpu.memory_space<vmem>>[vector<16xi32>], vector<16xf32>,
        %add3A_372 = arith.constant 1.000000e+00 : f32
        %add3A_373 = vector.broadcast %add3A_372 : f32 to vector<16xf32>
        %add3A_374 = arith.addf %add3A_373, %gather3A_371 : vector<16xf32>
        %mul3A_375 = arith.mulf %sub3A_310, %add3A_374 : vector<16xf32>
        %exp3A_376 = math.exp %mul3A_375 : vector<16xf32>
        %add3A_377 = arith.constant 2 : i32
        %add3A_378 = vector.broadcast %add3A_377 : i32 to vector<16xi32>
        %add3A_379 = arith.addi %broadcast_in_dim3A_181, %add3A_378 : vector<16xi32>
        %mul3A_380 = arith.mulf %gather3A_367, %exp3A_376 : vector<16xf32>
        %mul3A_381 = arith.mulf %mul3A_380, %div3A_324 : vector<16xf32>
        tpu.vector_store_idx %arg19[%add3A_179, %add3A_379], %mul3A_381 : memref<1280x13xf32, #tpu.memory_space<vmem>>[vector<16xi32>, vector<16xi32>], vector<16xf32>,
        %add3A_382 = arith.constant 6 : i32
        %add3A_383 = vector.broadcast %add3A_382 : i32 to vector<16xi32>
        %add3A_384 = arith.addi %mul3A_327, %add3A_383 : vector<16xi32>
        %gather3A_385 = tpu.vector_load_idx %arg20[%add3A_384] : memref<128xf32, #tpu.memory_space<vmem>>[vector<16xi32>], vector<16xf32>,
        %add3A_386 = arith.constant 7 : i32
        %add3A_387 = vector.broadcast %add3A_386 : i32 to vector<16xi32>
        %add3A_388 = arith.addi %mul3A_327, %add3A_387 : vector<16xi32>
        %gather3A_389 = tpu.vector_load_idx %arg20[%add3A_388] : memref<128xf32, #tpu.memory_space<vmem>>[vector<16xi32>], vector<16xf32>,
        %add3A_390 = arith.constant 1.000000e+00 : f32
        %add3A_391 = vector.broadcast %add3A_390 : f32 to vector<16xf32>
        %add3A_392 = arith.addf %add3A_391, %gather3A_389 : vector<16xf32>
        %mul3A_393 = arith.mulf %sub3A_310, %add3A_392 : vector<16xf32>
        %exp3A_394 = math.exp %mul3A_393 : vector<16xf32>
        %add3A_395 = arith.constant 3 : i32
        %add3A_396 = vector.broadcast %add3A_395 : i32 to vector<16xi32>
        %add3A_397 = arith.addi %broadcast_in_dim3A_181, %add3A_396 : vector<16xi32>
        %mul3A_398 = arith.mulf %gather3A_385, %exp3A_394 : vector<16xf32>
        %mul3A_399 = arith.mulf %mul3A_398, %div3A_324 : vector<16xf32>
        tpu.vector_store_idx %arg19[%add3A_179, %add3A_397], %mul3A_399 : memref<1280x13xf32, #tpu.memory_space<vmem>>[vector<16xi32>, vector<16xi32>], vector<16xf32>,
        %add3A_400 = arith.constant 8 : i32
        %add3A_401 = vector.broadcast %add3A_400 : i32 to vector<16xi32>
        %add3A_402 = arith.addi %mul3A_327, %add3A_401 : vector<16xi32>
        %gather3A_403 = tpu.vector_load_idx %arg20[%add3A_402] : memref<128xf32, #tpu.memory_space<vmem>>[vector<16xi32>], vector<16xf32>,
        %add3A_404 = arith.constant 9 : i32
        %add3A_405 = vector.broadcast %add3A_404 : i32 to vector<16xi32>
        %add3A_406 = arith.addi %mul3A_327, %add3A_405 : vector<16xi32>
        %gather3A_407 = tpu.vector_load_idx %arg20[%add3A_406] : memref<128xf32, #tpu.memory_space<vmem>>[vector<16xi32>], vector<16xf32>,
        %add3A_408 = arith.constant 1.000000e+00 : f32
        %add3A_409 = vector.broadcast %add3A_408 : f32 to vector<16xf32>
        %add3A_410 = arith.addf %add3A_409, %gather3A_407 : vector<16xf32>
        %mul3A_411 = arith.mulf %sub3A_310, %add3A_410 : vector<16xf32>
        %exp3A_412 = math.exp %mul3A_411 : vector<16xf32>
        %add3A_413 = arith.constant 4 : i32
        %add3A_414 = vector.broadcast %add3A_413 : i32 to vector<16xi32>
        %add3A_415 = arith.addi %broadcast_in_dim3A_181, %add3A_414 : vector<16xi32>
        %mul3A_416 = arith.mulf %gather3A_403, %exp3A_412 : vector<16xf32>
        %mul3A_417 = arith.mulf %mul3A_416, %div3A_324 : vector<16xf32>
        tpu.vector_store_idx %arg19[%add3A_179, %add3A_415], %mul3A_417 : memref<1280x13xf32, #tpu.memory_space<vmem>>[vector<16xi32>, vector<16xi32>], vector<16xf32>,
        %add3A_418 = arith.constant 10 : i32
        %add3A_419 = vector.broadcast %add3A_418 : i32 to vector<16xi32>
        %add3A_420 = arith.addi %mul3A_327, %add3A_419 : vector<16xi32>
        %gather3A_421 = tpu.vector_load_idx %arg20[%add3A_420] : memref<128xf32, #tpu.memory_space<vmem>>[vector<16xi32>], vector<16xf32>,
        %add3A_422 = arith.constant 11 : i32
        %add3A_423 = vector.broadcast %add3A_422 : i32 to vector<16xi32>
        %add3A_424 = arith.addi %mul3A_327, %add3A_423 : vector<16xi32>
        %gather3A_425 = tpu.vector_load_idx %arg20[%add3A_424] : memref<128xf32, #tpu.memory_space<vmem>>[vector<16xi32>], vector<16xf32>,
        %add3A_426 = arith.constant 1.000000e+00 : f32
        %add3A_427 = vector.broadcast %add3A_426 : f32 to vector<16xf32>
        %add3A_428 = arith.addf %add3A_427, %gather3A_425 : vector<16xf32>
        %mul3A_429 = arith.mulf %sub3A_310, %add3A_428 : vector<16xf32>
        %exp3A_430 = math.exp %mul3A_429 : vector<16xf32>
        %add3A_431 = arith.constant 5 : i32
        %add3A_432 = vector.broadcast %add3A_431 : i32 to vector<16xi32>
        %add3A_433 = arith.addi %broadcast_in_dim3A_181, %add3A_432 : vector<16xi32>
        %mul3A_434 = arith.mulf %gather3A_421, %exp3A_430 : vector<16xf32>
        %mul3A_435 = arith.mulf %mul3A_434, %div3A_324 : vector<16xf32>
        tpu.vector_store_idx %arg19[%add3A_179, %add3A_433], %mul3A_435 : memref<1280x13xf32, #tpu.memory_space<vmem>>[vector<16xi32>, vector<16xi32>], vector<16xf32>,
        %add3A_436 = arith.constant 12 : i32
        %add3A_437 = vector.broadcast %add3A_436 : i32 to vector<16xi32>
        %add3A_438 = arith.addi %mul3A_327, %add3A_437 : vector<16xi32>
        %gather3A_439 = tpu.vector_load_idx %arg20[%add3A_438] : memref<128xf32, #tpu.memory_space<vmem>>[vector<16xi32>], vector<16xf32>,
        %add3A_440 = arith.constant 13 : i32
        %add3A_441 = vector.broadcast %add3A_440 : i32 to vector<16xi32>
        %add3A_442 = arith.addi %mul3A_327, %add3A_441 : vector<16xi32>
        %gather3A_443 = tpu.vector_load_idx %arg20[%add3A_442] : memref<128xf32, #tpu.memory_space<vmem>>[vector<16xi32>], vector<16xf32>,
        %add3A_444 = arith.constant 1.000000e+00 : f32
        %add3A_445 = vector.broadcast %add3A_444 : f32 to vector<16xf32>
        %add3A_446 = arith.addf %add3A_445, %gather3A_443 : vector<16xf32>
        %mul3A_447 = arith.mulf %sub3A_310, %add3A_446 : vector<16xf32>
        %exp3A_448 = math.exp %mul3A_447 : vector<16xf32>
        %add3A_449 = arith.constant 6 : i32
        %add3A_450 = vector.broadcast %add3A_449 : i32 to vector<16xi32>
        %add3A_451 = arith.addi %broadcast_in_dim3A_181, %add3A_450 : vector<16xi32>
        %mul3A_452 = arith.mulf %gather3A_439, %exp3A_448 : vector<16xf32>
        %mul3A_453 = arith.mulf %mul3A_452, %div3A_324 : vector<16xf32>
        tpu.vector_store_idx %arg19[%add3A_179, %add3A_451], %mul3A_453 : memref<1280x13xf32, #tpu.memory_space<vmem>>[vector<16xi32>, vector<16xi32>], vector<16xf32>,
        %add3A_454 = arith.constant 14 : i32
        %add3A_455 = vector.broadcast %add3A_454 : i32 to vector<16xi32>
        %add3A_456 = arith.addi %mul3A_327, %add3A_455 : vector<16xi32>
        %gather3A_457 = tpu.vector_load_idx %arg20[%add3A_456] : memref<128xf32, #tpu.memory_space<vmem>>[vector<16xi32>], vector<16xf32>,
        %add3A_458 = arith.constant 15 : i32
        %add3A_459 = vector.broadcast %add3A_458 : i32 to vector<16xi32>
        %add3A_460 = arith.addi %mul3A_327, %add3A_459 : vector<16xi32>
        %gather3A_461 = tpu.vector_load_idx %arg20[%add3A_460] : memref<128xf32, #tpu.memory_space<vmem>>[vector<16xi32>], vector<16xf32>,
        %add3A_462 = arith.constant 1.000000e+00 : f32
        %add3A_463 = vector.broadcast %add3A_462 : f32 to vector<16xf32>
        %add3A_464 = arith.addf %add3A_463, %gather3A_461 : vector<16xf32>
        %mul3A_465 = arith.mulf %sub3A_310, %add3A_464 : vector<16xf32>
        %exp3A_466 = math.exp %mul3A_465 : vector<16xf32>
        %add3A_467 = arith.constant 7 : i32
        %add3A_468 = vector.broadcast %add3A_467 : i32 to vector<16xi32>
        %add3A_469 = arith.addi %broadcast_in_dim3A_181, %add3A_468 : vector<16xi32>
        %mul3A_470 = arith.mulf %gather3A_457, %exp3A_466 : vector<16xf32>
        %mul3A_471 = arith.mulf %mul3A_470, %div3A_324 : vector<16xf32>
        tpu.vector_store_idx %arg19[%add3A_179, %add3A_469], %mul3A_471 : memref<1280x13xf32, #tpu.memory_space<vmem>>[vector<16xi32>, vector<16xi32>], vector<16xf32>,
        %add3A_472 = arith.constant 16 : i32
        %add3A_473 = vector.broadcast %add3A_472 : i32 to vector<16xi32>
        %add3A_474 = arith.addi %mul3A_327, %add3A_473 : vector<16xi32>
        %gather3A_475 = tpu.vector_load_idx %arg20[%add3A_474] : memref<128xf32, #tpu.memory_space<vmem>>[vector<16xi32>], vector<16xf32>,
        %add3A_476 = arith.constant 17 : i32
        %add3A_477 = vector.broadcast %add3A_476 : i32 to vector<16xi32>
        %add3A_478 = arith.addi %mul3A_327, %add3A_477 : vector<16xi32>
        %gather3A_479 = tpu.vector_load_idx %arg20[%add3A_478] : memref<128xf32, #tpu.memory_space<vmem>>[vector<16xi32>], vector<16xf32>,
        %add3A_480 = arith.constant 1.000000e+00 : f32
        %add3A_481 = vector.broadcast %add3A_480 : f32 to vector<16xf32>
        %add3A_482 = arith.addf %add3A_481, %gather3A_479 : vector<16xf32>
        %mul3A_483 = arith.mulf %sub3A_310, %add3A_482 : vector<16xf32>
        %exp3A_484 = math.exp %mul3A_483 : vector<16xf32>
        %add3A_485 = arith.constant 8 : i32
        %add3A_486 = vector.broadcast %add3A_485 : i32 to vector<16xi32>
        %add3A_487 = arith.addi %broadcast_in_dim3A_181, %add3A_486 : vector<16xi32>
        %mul3A_488 = arith.mulf %gather3A_475, %exp3A_484 : vector<16xf32>
        %mul3A_489 = arith.mulf %mul3A_488, %div3A_324 : vector<16xf32>
        tpu.vector_store_idx %arg19[%add3A_179, %add3A_487], %mul3A_489 : memref<1280x13xf32, #tpu.memory_space<vmem>>[vector<16xi32>, vector<16xi32>], vector<16xf32>,
        %add3A_490 = arith.constant 18 : i32
        %add3A_491 = vector.broadcast %add3A_490 : i32 to vector<16xi32>
        %add3A_492 = arith.addi %mul3A_327, %add3A_491 : vector<16xi32>
        %gather3A_493 = tpu.vector_load_idx %arg20[%add3A_492] : memref<128xf32, #tpu.memory_space<vmem>>[vector<16xi32>], vector<16xf32>,
        %add3A_494 = arith.constant 19 : i32
        %add3A_495 = vector.broadcast %add3A_494 : i32 to vector<16xi32>
        %add3A_496 = arith.addi %mul3A_327, %add3A_495 : vector<16xi32>
        %gather3A_497 = tpu.vector_load_idx %arg20[%add3A_496] : memref<128xf32, #tpu.memory_space<vmem>>[vector<16xi32>], vector<16xf32>,
        %add3A_498 = arith.constant 1.000000e+00 : f32
        %add3A_499 = vector.broadcast %add3A_498 : f32 to vector<16xf32>
        %add3A_500 = arith.addf %add3A_499, %gather3A_497 : vector<16xf32>
        %mul3A_501 = arith.mulf %sub3A_310, %add3A_500 : vector<16xf32>
        %exp3A_502 = math.exp %mul3A_501 : vector<16xf32>
        %add3A_503 = arith.constant 9 : i32
        %add3A_504 = vector.broadcast %add3A_503 : i32 to vector<16xi32>
        %add3A_505 = arith.addi %broadcast_in_dim3A_181, %add3A_504 : vector<16xi32>
        %mul3A_506 = arith.mulf %gather3A_493, %exp3A_502 : vector<16xf32>
        %mul3A_507 = arith.mulf %mul3A_506, %div3A_324 : vector<16xf32>
        tpu.vector_store_idx %arg19[%add3A_179, %add3A_505], %mul3A_507 : memref<1280x13xf32, #tpu.memory_space<vmem>>[vector<16xi32>, vector<16xi32>], vector<16xf32>,
        %add3A_508 = arith.constant 20 : i32
        %add3A_509 = vector.broadcast %add3A_508 : i32 to vector<16xi32>
        %add3A_510 = arith.addi %mul3A_327, %add3A_509 : vector<16xi32>
        %gather3A_511 = tpu.vector_load_idx %arg20[%add3A_510] : memref<128xf32, #tpu.memory_space<vmem>>[vector<16xi32>], vector<16xf32>,
        %add3A_512 = arith.constant 21 : i32
        %add3A_513 = vector.broadcast %add3A_512 : i32 to vector<16xi32>
        %add3A_514 = arith.addi %mul3A_327, %add3A_513 : vector<16xi32>
        %gather3A_515 = tpu.vector_load_idx %arg20[%add3A_514] : memref<128xf32, #tpu.memory_space<vmem>>[vector<16xi32>], vector<16xf32>,
        %add3A_516 = arith.constant 1.000000e+00 : f32
        %add3A_517 = vector.broadcast %add3A_516 : f32 to vector<16xf32>
        %add3A_518 = arith.addf %add3A_517, %gather3A_515 : vector<16xf32>
        %mul3A_519 = arith.mulf %sub3A_310, %add3A_518 : vector<16xf32>
        %exp3A_520 = math.exp %mul3A_519 : vector<16xf32>
        %add3A_521 = arith.constant 10 : i32
        %add3A_522 = vector.broadcast %add3A_521 : i32 to vector<16xi32>
        %add3A_523 = arith.addi %broadcast_in_dim3A_181, %add3A_522 : vector<16xi32>
        %mul3A_524 = arith.mulf %gather3A_511, %exp3A_520 : vector<16xf32>
        %mul3A_525 = arith.mulf %mul3A_524, %div3A_324 : vector<16xf32>
        tpu.vector_store_idx %arg19[%add3A_179, %add3A_523], %mul3A_525 : memref<1280x13xf32, #tpu.memory_space<vmem>>[vector<16xi32>, vector<16xi32>], vector<16xf32>,
        %add3A_526 = arith.constant 22 : i32
        %add3A_527 = vector.broadcast %add3A_526 : i32 to vector<16xi32>
        %add3A_528 = arith.addi %mul3A_327, %add3A_527 : vector<16xi32>
        %gather3A_529 = tpu.vector_load_idx %arg20[%add3A_528] : memref<128xf32, #tpu.memory_space<vmem>>[vector<16xi32>], vector<16xf32>,
        %add3A_530 = arith.constant 23 : i32
        %add3A_531 = vector.broadcast %add3A_530 : i32 to vector<16xi32>
        %add3A_532 = arith.addi %mul3A_327, %add3A_531 : vector<16xi32>
        %gather3A_533 = tpu.vector_load_idx %arg20[%add3A_532] : memref<128xf32, #tpu.memory_space<vmem>>[vector<16xi32>], vector<16xf32>,
        %add3A_534 = arith.constant 1.000000e+00 : f32
        %add3A_535 = vector.broadcast %add3A_534 : f32 to vector<16xf32>
        %add3A_536 = arith.addf %add3A_535, %gather3A_533 : vector<16xf32>
        %mul3A_537 = arith.mulf %sub3A_310, %add3A_536 : vector<16xf32>
        %exp3A_538 = math.exp %mul3A_537 : vector<16xf32>
        %add3A_539 = arith.constant 11 : i32
        %add3A_540 = vector.broadcast %add3A_539 : i32 to vector<16xi32>
        %add3A_541 = arith.addi %broadcast_in_dim3A_181, %add3A_540 : vector<16xi32>
        %mul3A_542 = arith.mulf %gather3A_529, %exp3A_538 : vector<16xf32>
        %mul3A_543 = arith.mulf %mul3A_542, %div3A_324 : vector<16xf32>
        tpu.vector_store_idx %arg19[%add3A_179, %add3A_541], %mul3A_543 : memref<1280x13xf32, #tpu.memory_space<vmem>>[vector<16xi32>, vector<16xi32>], vector<16xf32>,
        %add3A_544 = arith.constant 24 : i32
        %add3A_545 = vector.broadcast %add3A_544 : i32 to vector<16xi32>
        %add3A_546 = arith.addi %mul3A_327, %add3A_545 : vector<16xi32>
        %gather3A_547 = tpu.vector_load_idx %arg20[%add3A_546] : memref<128xf32, #tpu.memory_space<vmem>>[vector<16xi32>], vector<16xf32>,
        %add3A_548 = arith.constant 25 : i32
        %add3A_549 = vector.broadcast %add3A_548 : i32 to vector<16xi32>
        %add3A_550 = arith.addi %mul3A_327, %add3A_549 : vector<16xi32>
        %gather3A_551 = tpu.vector_load_idx %arg20[%add3A_550] : memref<128xf32, #tpu.memory_space<vmem>>[vector<16xi32>], vector<16xf32>,
        %add3A_552 = arith.constant 1.000000e+00 : f32
        %add3A_553 = vector.broadcast %add3A_552 : f32 to vector<16xf32>
        %add3A_554 = arith.addf %add3A_553, %gather3A_551 : vector<16xf32>
        %mul3A_555 = arith.mulf %sub3A_310, %add3A_554 : vector<16xf32>
        %exp3A_556 = math.exp %mul3A_555 : vector<16xf32>
        %add3A_557 = arith.constant 12 : i32
        %add3A_558 = vector.broadcast %add3A_557 : i32 to vector<16xi32>
        %add3A_559 = arith.addi %broadcast_in_dim3A_181, %add3A_558 : vector<16xi32>
        %mul3A_560 = arith.mulf %gather3A_547, %exp3A_556 : vector<16xf32>
        %mul3A_561 = arith.mulf %mul3A_560, %div3A_324 : vector<16xf32>
        tpu.vector_store_idx %arg19[%add3A_179, %add3A_559], %mul3A_561 : memref<1280x13xf32, #tpu.memory_space<vmem>>[vector<16xi32>, vector<16xi32>], vector<16xf32>,
      }
      %scan3A_174 = arith.constant 80 : i32
      "tpu.region"() ({
        %run_scoped3A = tpu.sem_alloc : memref<!tpu.dma_semaphore, #tpu.memory_space<semaphore_mem>>
        %dma_start3A_175 = arith.constant 0 : i32
        %dma_start3A_176 = tpu.memref_slice %arg9[%mul3A_152, %dma_start3A_175] : memref<1600000x13xf32, #tpu.memory_space<hbm>> -> memref<1280x13xf32, #tpu.memory_space<hbm>>
        %dma_start3A_177 = arith.constant 0 : i32
        %dma_start3A_178 = tpu.memref_slice %arg9[%mul3A_152, %dma_start3A_177] : memref<1600000x13xf32, #tpu.memory_space<hbm>> -> memref<1280x13xf32, #tpu.memory_space<hbm>>
        tpu.enqueue_dma source(%arg19 : memref<1280x13xf32, #tpu.memory_space<vmem>>) target(%dma_start3A_178 : memref<1280x13xf32, #tpu.memory_space<hbm>>) target_semaphore(%run_scoped3A : memref<!tpu.dma_semaphore, #tpu.memory_space<semaphore_mem>>)
        %dma_wait3A_179 = arith.constant 0 : i32
        %dma_wait3A_180 = tpu.memref_slice %arg9[%mul3A_152, %dma_wait3A_179] : memref<1600000x13xf32, #tpu.memory_space<hbm>> -> memref<1280x13xf32, #tpu.memory_space<hbm>>
        %dma_wait3A_181 = arith.constant 0 : i32
        %dma_wait3A_182 = tpu.memref_slice %arg9[%mul3A_152, %dma_wait3A_181] : memref<1600000x13xf32, #tpu.memory_space<hbm>> -> memref<1280x13xf32, #tpu.memory_space<hbm>>
        tpu.wait_dma2 semaphore(%run_scoped3A : memref<!tpu.dma_semaphore, #tpu.memory_space<semaphore_mem>>) src(%arg19 : memref<1280x13xf32, #tpu.memory_space<vmem>>) dst(%dma_wait3A_182 : memref<1280x13xf32, #tpu.memory_space<hbm>>)
        tpu.yield
      }) : () -> ()
    }
    %sub3A_107 = arith.constant 50 : i32
    %sub3A_108 = arith.subi %sub3A_107, %add3A : i32
    %add3A_109 = arith.constant 32 : i32
    %add3A_110 = arith.addi %sub3A_108, %add3A_109 : i32
    %sub3A_111 = arith.constant 1 : i32
    %sub3A_112 = arith.subi %add3A_110, %sub3A_111 : i32
    %jit3A_113 = arith.constant 32 : i32
    %div3A_114 = arith.divsi %sub3A_112, %jit3A_113 : i32
    %sign3A_115 = arith.constant 0 : i32
    %sign3A_116 = arith.cmpi sgt, %sub3A_112, %sign3A_115 : i32
    %sign3A_117 = arith.extui %sign3A_116 : i1 to i32
    %sign3A_118 = arith.constant 0 : i32
    %sign3A_119 = arith.cmpi slt, %sub3A_112, %sign3A_118 : i32
    %sign3A_120 = arith.extui %sign3A_119 : i1 to i32
    %sign3A_121 = arith.subi %sign3A_117, %sign3A_120 : i32
    %sign3A_122 = arith.constant 0 : i32
    %sign3A_123 = arith.cmpi sgt, %jit3A_113, %sign3A_122 : i32
    %sign3A_124 = arith.extui %sign3A_123 : i1 to i32
    %sign3A_125 = arith.constant 0 : i32
    %sign3A_126 = arith.cmpi slt, %jit3A_113, %sign3A_125 : i32
    %sign3A_127 = arith.extui %sign3A_126 : i1 to i32
    %sign3A_128 = arith.subi %sign3A_124, %sign3A_127 : i32
    %ne3A_129 = arith.cmpi ne, %sign3A_121, %sign3A_128 : i32
    %rem3A_130 = arith.remsi %sub3A_112, %jit3A_113 : i32
    %ne3A_131 = arith.constant 0 : i32
    %ne3A_132 = arith.cmpi ne, %rem3A_130, %ne3A_131 : i32
    %and3A_133 = arith.andi %ne3A_129, %ne3A_132 : i1
    %sub3A_134 = arith.constant 1 : i32
    %sub3A_135 = arith.subi %div3A_114, %sub3A_134 : i32
    %select_n3A_136 = arith.select %and3A_133, %sub3A_135, %div3A_114 : i32
    %while3A_137 = arith.constant 0 : i32
    %while3A_138 = arith.constant 0 : i32
    %while3A_139 = arith.subi %select_n3A_136, %while3A_138 : i32
    %while3A_140 = arith.addi %while3A_138, %while3A_139 : i32
    %while3A_141 = arith.constant 1 : i32
    %while3A_142 = arith.divsi %while3A_139, %while3A_141 : i32
    %while3A_143 = arith.muli %while3A_142, %while3A_141 : i32
    %while3A_144 = arith.addi %while3A_138, %while3A_143 : i32
    %while3A_145 = arith.constant 1 : i32
    scf.for %while3A_147 = %while3A_138 to %while3A_144 step %while3A_145  : i32 {
      %mul3A_148 = arith.constant 32 : i32
      %mul3A_149 = arith.muli %while3A_147, %mul3A_148 : i32
      %add3A_150 = arith.addi %add3A, %mul3A_149 : i32
      %mul3A_151 = arith.constant 2000 : i32
      %mul3A_152 = arith.muli %add3A_150, %mul3A_151 : i32
      "tpu.region"() ({
        %run_scoped3A = tpu.sem_alloc : memref<!tpu.dma_semaphore, #tpu.memory_space<semaphore_mem>>
        %dma_start3A = tpu.memref_slice %arg7[%mul3A_152] : memref<100000xi32, #tpu.memory_space<hbm>> -> memref<2000xi32, #tpu.memory_space<hbm>>
        %dma_start3A_159 = tpu.memref_slice %arg7[%mul3A_152] : memref<100000xi32, #tpu.memory_space<hbm>> -> memref<2000xi32, #tpu.memory_space<hbm>>
        tpu.enqueue_dma source(%dma_start3A_159 : memref<2000xi32, #tpu.memory_space<hbm>>) target(%arg24 : memref<2000xi32, #tpu.memory_space<vmem>>) target_semaphore(%run_scoped3A : memref<!tpu.dma_semaphore, #tpu.memory_space<semaphore_mem>>)
        %dma_wait3A = tpu.memref_slice %arg7[%mul3A_152] : memref<100000xi32, #tpu.memory_space<hbm>> -> memref<2000xi32, #tpu.memory_space<hbm>>
        %dma_wait3A_160 = tpu.memref_slice %arg7[%mul3A_152] : memref<100000xi32, #tpu.memory_space<hbm>> -> memref<2000xi32, #tpu.memory_space<hbm>>
        tpu.wait_dma2 semaphore(%run_scoped3A : memref<!tpu.dma_semaphore, #tpu.memory_space<semaphore_mem>>) src(%dma_wait3A_160 : memref<2000xi32, #tpu.memory_space<hbm>>) dst(%arg24 : memref<2000xi32, #tpu.memory_space<vmem>>)
        tpu.yield
      }) : () -> ()
      %scan3A_153 = arith.constant 0 : i32
      %scan3A_154 = arith.constant 0 : i32
      %scan3A_155 = arith.constant 125 : i32
      %scan3A_156 = arith.addi %scan3A_154, %scan3A_155 : i32
      %scan3A_157 = arith.constant 1 : i32
      scf.for %scan3A_159 = %scan3A_154 to %scan3A_156 step %scan3A_157  : i32 {
        %mul3A_160 = arith.constant 16 : i32
        %mul3A_161 = arith.muli %scan3A_159, %mul3A_160 : i32
        %add3A_162 = vector.broadcast %mul3A_161 : i32 to vector<16xi32>
        %add3A_163 = arith.addi %add3A_162, %iota3A : vector<16xi32>
        %mul3A_164 = arith.constant 16 : i32
        %mul3A_165 = arith.muli %scan3A_159, %mul3A_164 : i32
        %get3A = arith.index_cast %mul3A_165 : i32 to index
        %get3A_166 = tpu.vector_load %arg24[%get3A] {strides = array<i32>} : memref<2000xi32, #tpu.memory_space<vmem>>, vector<16xi32>,
        %mul3A_167 = arith.constant 3 : i32
        %mul3A_168 = vector.broadcast %mul3A_167 : i32 to vector<16xi32>
        %mul3A_169 = arith.muli %get3A_166, %mul3A_168 : vector<16xi32>
        %broadcast_in_dim3A_170 = arith.constant 0 : i32
        %broadcast_in_dim3A_171 = vector.broadcast %broadcast_in_dim3A_170 : i32 to vector<16xi32>
        %add3A_172 = arith.constant 0 : i32
        %add3A_173 = vector.broadcast %add3A_172 : i32 to vector<16xi32>
        %add3A_174 = arith.addi %mul3A_169, %add3A_173 : vector<16xi32>
        %gather3A_175 = tpu.vector_load_idx %arg23[%add3A_174] : memref<128xf32, #tpu.memory_space<vmem>>[vector<16xi32>], vector<16xf32>,
        %add3A_176 = arith.constant 0 : i32
        %add3A_177 = vector.broadcast %add3A_176 : i32 to vector<16xi32>
        %add3A_178 = arith.addi %broadcast_in_dim3A_171, %add3A_177 : vector<16xi32>
        tpu.vector_store_idx %arg25[%add3A_163, %add3A_178], %gather3A_175 : memref<2000x3xf32, #tpu.memory_space<vmem>>[vector<16xi32>, vector<16xi32>], vector<16xf32>,
        %add3A_179 = arith.constant 1 : i32
        %add3A_180 = vector.broadcast %add3A_179 : i32 to vector<16xi32>
        %add3A_181 = arith.addi %mul3A_169, %add3A_180 : vector<16xi32>
        %gather3A_182 = tpu.vector_load_idx %arg23[%add3A_181] : memref<128xf32, #tpu.memory_space<vmem>>[vector<16xi32>], vector<16xf32>,
        %add3A_183 = arith.constant 1 : i32
        %add3A_184 = vector.broadcast %add3A_183 : i32 to vector<16xi32>
        %add3A_185 = arith.addi %broadcast_in_dim3A_171, %add3A_184 : vector<16xi32>
        tpu.vector_store_idx %arg25[%add3A_163, %add3A_185], %gather3A_182 : memref<2000x3xf32, #tpu.memory_space<vmem>>[vector<16xi32>, vector<16xi32>], vector<16xf32>,
        %add3A_186 = arith.constant 2 : i32
        %add3A_187 = vector.broadcast %add3A_186 : i32 to vector<16xi32>
        %add3A_188 = arith.addi %mul3A_169, %add3A_187 : vector<16xi32>
        %gather3A_189 = tpu.vector_load_idx %arg23[%add3A_188] : memref<128xf32, #tpu.memory_space<vmem>>[vector<16xi32>], vector<16xf32>,
        %add3A_190 = arith.constant 2 : i32
        %add3A_191 = vector.broadcast %add3A_190 : i32 to vector<16xi32>
        %add3A_192 = arith.addi %broadcast_in_dim3A_171, %add3A_191 : vector<16xi32>
        tpu.vector_store_idx %arg25[%add3A_163, %add3A_192], %gather3A_189 : memref<2000x3xf32, #tpu.memory_space<vmem>>[vector<16xi32>, vector<16xi32>], vector<16xf32>,
      }
      %scan3A_158 = arith.constant 125 : i32
      "tpu.region"() ({
        %run_scoped3A = tpu.sem_alloc : memref<!tpu.dma_semaphore, #tpu.memory_space<semaphore_mem>>
        %dma_start3A = arith.constant 0 : i32
        %dma_start3A_159 = tpu.memref_slice %arg10[%mul3A_152, %dma_start3A] : memref<100000x3xf32, #tpu.memory_space<hbm>> -> memref<2000x3xf32, #tpu.memory_space<hbm>>
        %dma_start3A_160 = arith.constant 0 : i32
        %dma_start3A_161 = tpu.memref_slice %arg10[%mul3A_152, %dma_start3A_160] : memref<100000x3xf32, #tpu.memory_space<hbm>> -> memref<2000x3xf32, #tpu.memory_space<hbm>>
        tpu.enqueue_dma source(%arg25 : memref<2000x3xf32, #tpu.memory_space<vmem>>) target(%dma_start3A_161 : memref<2000x3xf32, #tpu.memory_space<hbm>>) target_semaphore(%run_scoped3A : memref<!tpu.dma_semaphore, #tpu.memory_space<semaphore_mem>>)
        %dma_wait3A = arith.constant 0 : i32
        %dma_wait3A_162 = tpu.memref_slice %arg10[%mul3A_152, %dma_wait3A] : memref<100000x3xf32, #tpu.memory_space<hbm>> -> memref<2000x3xf32, #tpu.memory_space<hbm>>
        %dma_wait3A_163 = arith.constant 0 : i32
        %dma_wait3A_164 = tpu.memref_slice %arg10[%mul3A_152, %dma_wait3A_163] : memref<100000x3xf32, #tpu.memory_space<hbm>> -> memref<2000x3xf32, #tpu.memory_space<hbm>>
        tpu.wait_dma2 semaphore(%run_scoped3A : memref<!tpu.dma_semaphore, #tpu.memory_space<semaphore_mem>>) src(%arg25 : memref<2000x3xf32, #tpu.memory_space<vmem>>) dst(%dma_wait3A_164 : memref<2000x3xf32, #tpu.memory_space<hbm>>)
        tpu.yield
      }) : () -> ()
    }
    %while3A_146 = arith.constant 1 : i32
    scf.for %while3A_147 = %while3A_144 to %while3A_140 step %while3A_146  : i32 {
      %mul3A_148 = arith.constant 32 : i32
      %mul3A_149 = arith.muli %while3A_147, %mul3A_148 : i32
      %add3A_150 = arith.addi %add3A, %mul3A_149 : i32
      %mul3A_151 = arith.constant 2000 : i32
      %mul3A_152 = arith.muli %add3A_150, %mul3A_151 : i32
      "tpu.region"() ({
        %run_scoped3A = tpu.sem_alloc : memref<!tpu.dma_semaphore, #tpu.memory_space<semaphore_mem>>
        %dma_start3A = tpu.memref_slice %arg7[%mul3A_152] : memref<100000xi32, #tpu.memory_space<hbm>> -> memref<2000xi32, #tpu.memory_space<hbm>>
        %dma_start3A_159 = tpu.memref_slice %arg7[%mul3A_152] : memref<100000xi32, #tpu.memory_space<hbm>> -> memref<2000xi32, #tpu.memory_space<hbm>>
        tpu.enqueue_dma source(%dma_start3A_159 : memref<2000xi32, #tpu.memory_space<hbm>>) target(%arg24 : memref<2000xi32, #tpu.memory_space<vmem>>) target_semaphore(%run_scoped3A : memref<!tpu.dma_semaphore, #tpu.memory_space<semaphore_mem>>)
        %dma_wait3A = tpu.memref_slice %arg7[%mul3A_152] : memref<100000xi32, #tpu.memory_space<hbm>> -> memref<2000xi32, #tpu.memory_space<hbm>>
        %dma_wait3A_160 = tpu.memref_slice %arg7[%mul3A_152] : memref<100000xi32, #tpu.memory_space<hbm>> -> memref<2000xi32, #tpu.memory_space<hbm>>
        tpu.wait_dma2 semaphore(%run_scoped3A : memref<!tpu.dma_semaphore, #tpu.memory_space<semaphore_mem>>) src(%dma_wait3A_160 : memref<2000xi32, #tpu.memory_space<hbm>>) dst(%arg24 : memref<2000xi32, #tpu.memory_space<vmem>>)
        tpu.yield
      }) : () -> ()
      %scan3A_153 = arith.constant 0 : i32
      %scan3A_154 = arith.constant 0 : i32
      %scan3A_155 = arith.constant 125 : i32
      %scan3A_156 = arith.addi %scan3A_154, %scan3A_155 : i32
      %scan3A_157 = arith.constant 1 : i32
      scf.for %scan3A_159 = %scan3A_154 to %scan3A_156 step %scan3A_157  : i32 {
        %mul3A_160 = arith.constant 16 : i32
        %mul3A_161 = arith.muli %scan3A_159, %mul3A_160 : i32
        %add3A_162 = vector.broadcast %mul3A_161 : i32 to vector<16xi32>
        %add3A_163 = arith.addi %add3A_162, %iota3A : vector<16xi32>
        %mul3A_164 = arith.constant 16 : i32
        %mul3A_165 = arith.muli %scan3A_159, %mul3A_164 : i32
        %get3A = arith.index_cast %mul3A_165 : i32 to index
        %get3A_166 = tpu.vector_load %arg24[%get3A] {strides = array<i32>} : memref<2000xi32, #tpu.memory_space<vmem>>, vector<16xi32>,
        %mul3A_167 = arith.constant 3 : i32
        %mul3A_168 = vector.broadcast %mul3A_167 : i32 to vector<16xi32>
        %mul3A_169 = arith.muli %get3A_166, %mul3A_168 : vector<16xi32>
        %broadcast_in_dim3A_170 = arith.constant 0 : i32
        %broadcast_in_dim3A_171 = vector.broadcast %broadcast_in_dim3A_170 : i32 to vector<16xi32>
        %add3A_172 = arith.constant 0 : i32
        %add3A_173 = vector.broadcast %add3A_172 : i32 to vector<16xi32>
        %add3A_174 = arith.addi %mul3A_169, %add3A_173 : vector<16xi32>
        %gather3A_175 = tpu.vector_load_idx %arg23[%add3A_174] : memref<128xf32, #tpu.memory_space<vmem>>[vector<16xi32>], vector<16xf32>,
        %add3A_176 = arith.constant 0 : i32
        %add3A_177 = vector.broadcast %add3A_176 : i32 to vector<16xi32>
        %add3A_178 = arith.addi %broadcast_in_dim3A_171, %add3A_177 : vector<16xi32>
        tpu.vector_store_idx %arg25[%add3A_163, %add3A_178], %gather3A_175 : memref<2000x3xf32, #tpu.memory_space<vmem>>[vector<16xi32>, vector<16xi32>], vector<16xf32>,
        %add3A_179 = arith.constant 1 : i32
        %add3A_180 = vector.broadcast %add3A_179 : i32 to vector<16xi32>
        %add3A_181 = arith.addi %mul3A_169, %add3A_180 : vector<16xi32>
        %gather3A_182 = tpu.vector_load_idx %arg23[%add3A_181] : memref<128xf32, #tpu.memory_space<vmem>>[vector<16xi32>], vector<16xf32>,
        %add3A_183 = arith.constant 1 : i32
        %add3A_184 = vector.broadcast %add3A_183 : i32 to vector<16xi32>
        %add3A_185 = arith.addi %broadcast_in_dim3A_171, %add3A_184 : vector<16xi32>
        tpu.vector_store_idx %arg25[%add3A_163, %add3A_185], %gather3A_182 : memref<2000x3xf32, #tpu.memory_space<vmem>>[vector<16xi32>, vector<16xi32>], vector<16xf32>,
        %add3A_186 = arith.constant 2 : i32
        %add3A_187 = vector.broadcast %add3A_186 : i32 to vector<16xi32>
        %add3A_188 = arith.addi %mul3A_169, %add3A_187 : vector<16xi32>
        %gather3A_189 = tpu.vector_load_idx %arg23[%add3A_188] : memref<128xf32, #tpu.memory_space<vmem>>[vector<16xi32>], vector<16xf32>,
        %add3A_190 = arith.constant 2 : i32
        %add3A_191 = vector.broadcast %add3A_190 : i32 to vector<16xi32>
        %add3A_192 = arith.addi %broadcast_in_dim3A_171, %add3A_191 : vector<16xi32>
        tpu.vector_store_idx %arg25[%add3A_163, %add3A_192], %gather3A_189 : memref<2000x3xf32, #tpu.memory_space<vmem>>[vector<16xi32>, vector<16xi32>], vector<16xf32>,
      }
      %scan3A_158 = arith.constant 125 : i32
      "tpu.region"() ({
        %run_scoped3A = tpu.sem_alloc : memref<!tpu.dma_semaphore, #tpu.memory_space<semaphore_mem>>
        %dma_start3A = arith.constant 0 : i32
        %dma_start3A_159 = tpu.memref_slice %arg10[%mul3A_152, %dma_start3A] : memref<100000x3xf32, #tpu.memory_space<hbm>> -> memref<2000x3xf32, #tpu.memory_space<hbm>>
        %dma_start3A_160 = arith.constant 0 : i32
        %dma_start3A_161 = tpu.memref_slice %arg10[%mul3A_152, %dma_start3A_160] : memref<100000x3xf32, #tpu.memory_space<hbm>> -> memref<2000x3xf32, #tpu.memory_space<hbm>>
        tpu.enqueue_dma source(%arg25 : memref<2000x3xf32, #tpu.memory_space<vmem>>) target(%dma_start3A_161 : memref<2000x3xf32, #tpu.memory_space<hbm>>) target_semaphore(%run_scoped3A : memref<!tpu.dma_semaphore, #tpu.memory_space<semaphore_mem>>)
        %dma_wait3A = arith.constant 0 : i32
        %dma_wait3A_162 = tpu.memref_slice %arg10[%mul3A_152, %dma_wait3A] : memref<100000x3xf32, #tpu.memory_space<hbm>> -> memref<2000x3xf32, #tpu.memory_space<hbm>>
        %dma_wait3A_163 = arith.constant 0 : i32
        %dma_wait3A_164 = tpu.memref_slice %arg10[%mul3A_152, %dma_wait3A_163] : memref<100000x3xf32, #tpu.memory_space<hbm>> -> memref<2000x3xf32, #tpu.memory_space<hbm>>
        tpu.wait_dma2 semaphore(%run_scoped3A : memref<!tpu.dma_semaphore, #tpu.memory_space<semaphore_mem>>) src(%arg25 : memref<2000x3xf32, #tpu.memory_space<vmem>>) dst(%dma_wait3A_164 : memref<2000x3xf32, #tpu.memory_space<hbm>>)
        tpu.yield
      }) : () -> ()
    }
    return
  }
}

</mosaic_0001>

<sc_bundles>
// kernel: kernel.3.cloned.1.call-start
scs
__scs_entry_jumppad:
0x0: {  	(pc) =	sbr.rel $0x88, $3  }
0x1: {  	(tag) =	ssettag $0x0;
	lr =	simm.s32 $0x1  }
0x2: {  	[smem:$0x3F9B] =	sst lr;
	_ =	strace $0xD0000000  }
0x3: {  	_ = 	snop  }
0x4: {  	_ = 	snop  }
0x5: {  	_ = 	snop  }
0x6: {  	_ = 	snop  }
0x7: {  	_ = 	snop  }
__scs_overlays_trampoline_lowered:
0x8: {  	[smem:$0x3FAA] =	sst s0  }
0x9: {  	[smem:$0x3FAB] =	sst s1  }
0xa: {  	[smem:$0x3FAC] =	sst s2  }
0xb: {  	[smem:$0x3FAD] =	sst s3  }
0xc: {  	[smem:$0x3FAE] =	sst s4  }
0xd: {  	[smem:$0x3FAF] =	sst s5  }
0xe: {  	[smem:$0x3FB0] =	sst s6  }
0xf: {  	[smem:$0x3FB1] =	sst s7  }
0x10: {  	[smem:$0x3FB2] =	sst s8  }
0x11: {  	[smem:$0x3FB3] =	sst s9;
	s0 =	simm.s32 @!p0 $0x0  }
0x12: {  	s1 =	sld [smem:$0x3F99];
	s0 =	simm.s32 @p0 $0x1  }
0x13: {  	[smem:$0x3FB4] =	sst s0;
	s0 =	simm.s32 @!p1 $0x0  }
0x14: {  	s2 =	sld [smem:$0x3F98];
	s0 =	simm.s32 @p1 $0x1  }
0x15: {  	[smem:$0x3FB5] =	sst s0;
	s0 =	simm.s32 @!p2 $0x0  }
0x16: {  	s3 =	sld [smem:$0x3FDB];
	s0 =	simm.s32 @p2 $0x1  }
0x17: {  	s4 =	simm.s32 $0x1BF5;
	[smem:$0x3FB7] =	sst s0  }
0x18: {  	s0 =	sld [smem:$0x3F9A];
	_ =	swait.ge [sflag:s4], $0x0  }
0x19: {  	s7 =	sld [smem:$0x3F9B]  }
0x1a: {  	s8 =	sadd.s32 $0xFFFFE003, lr  }
0x1b: {  	s9 =	sadd.s32 $0xFFFFFEF7, lr;
	s5 =	simm.s32 $0xFFFFFFFF;
	p2 =	slt.u32 s8, $0xFFFFF086  }
0x1c: {  	p1 =	slt.u32 s9, $0xF7A;
	s5 =	simm.s32 @!p2 $0x0  }
0x1d: {  	s5 =	simm.s32 @p1 $0x1;
	p0 =	seq.s32 s7, s2  }
0x1e: {  	s7 =	smul.u32 @!p0 $0xF7A, s2;
	p2 =	seq.s32 @!p0 s5, $0x0  }
0x1f: {  	s9 =	smul.u32 $0xF7A, s1;
	s8 =	simm.s32 @!p0 $0x1BF5;
	p2 =	por !p2, p0  }
0x20: {  	[sflag:s8] =	ssyncset.s32 @!p0 $0xFFFFF086;
	s6 =	sadd.s32 @!p0 s3, s7;
	s7 =	simm.s32 @!p0 $0x108  }
0x21: {  	s3 =	sadd.s32 s3, s9;
	s6 =	sadd.s32 @!p0 $0x88, s6;
	s7 =	simm.s32 @p2 $0x1082  }
0x22: {  	[simem:s7], [sflag:s8] =	dma.local @!p0 [hbm:s6], $0xF7A  }
0x23: {  	s9 =	sor.u32 $0xD0000000, s2;
	s6 =	simm.s32 $0x108;
	_ =	swait.ge @!p0 [sflag:s8], $0x0  }
0x24: {  	s3 =	sadd.s32 $0x88, s3;
	s6 =	simm.s32 @!p1 $0x1082;
	[sflag:s4] =	ssyncset.s32 $0xFFFFF086  }
0x25: {  	[simem:s6], [sflag:s4] =	dma.local [hbm:s3], $0xF7A  }
0x26: {  	[smem:$0x3F9B] =	sst s1;
	(tag) =	ssettag s2;
	_ =	strace s9  }
0x27: {  	s1 =	sld [smem:$0x3FAB]  }
0x28: {  	s2 =	sld [smem:$0x3FAC]  }
0x29: {  	s4 =	sld [smem:$0x3FAE]  }
0x2a: {  	p0 =	seq.s32 s5, $0x0;
	s5 =	sld [smem:$0x3FAF]  }
0x2b: {  	s6 =	sld [smem:$0x3FB0]  }
0x2c: {  	s7 =	sld [smem:$0x3FB1]  }
0x2d: {  	s3 =	simm.s32 $0x108;
	s8 =	sld [smem:$0x3FB2]  }
0x2e: {  	s3 =	simm.s32 @!p0 $0x1082;
	s9 =	sld [smem:$0x3FB3]  }
0x2f: {  	lr =	sadd.s32 s0, s3;
	s0 =	sld [smem:$0x3FAA]  }
0x30: {  	s3 =	sld [smem:$0x3FAD]  }
0x31: {  	[smem:$0x3FB6] =	sst s10  }
0x32: {  	s10 =	sld [smem:$0x3FB4];
	_ =	sdelay $0x3  }
0x33: {  	p0 =	seq.s32 s10, $0x1;
	s10 =	sld [smem:$0x3FB6];
	_ =	sdelay $0x3  }
0x34: {  	[smem:$0x3FB6] =	sst s10  }
0x35: {  	s10 =	sld [smem:$0x3FB5];
	_ =	sdelay $0x3  }
0x36: {  	p1 =	seq.s32 s10, $0x1;
	s10 =	sld [smem:$0x3FB6];
	_ =	sdelay $0x3  }
0x37: {  	[smem:$0x3FB6] =	sst s10  }
0x38: {  	s10 =	sld [smem:$0x3FB7]  }
0x39: {  	_ = 	snop;
	(pc) =	sbr.ind lr, $3  }
0x3a: {  	_ = 	snop  }
0x3b: {  	_ = 	snop  }
0x3c: {  	p2 =	seq.s32 s10, $0x1;
	s10 =	sld [smem:$0x3FB6]  }
0x3d: {  	_ =	shalt  }
0x3e: {  	_ =	shalt  }
0x3f: {  	_ =	shalt  }
0x40: {  	_ =	shalt  }
0x41: {  	_ =	shalt  }
0x42: {  	_ =	shalt  }
0x43: {  	_ =	shalt  }
0x44: {  	_ =	shalt  }
0x45: {  	_ =	shalt  }
0x46: {  	_ =	shalt  }
0x47: {  	_ =	shalt  }
0x48: {  	_ =	shalt  }
0x49: {  	_ =	shalt  }
0x4a: {  	_ =	shalt  }
0x4b: {  	_ =	shalt  }
0x4c: {  	_ =	shalt  }
0x4d: {  	_ =	shalt  }
0x4e: {  	_ =	shalt  }
0x4f: {  	_ =	shalt  }
0x50: {  	_ =	shalt  }
0x51: {  	_ =	shalt  }
0x52: {  	_ =	shalt  }
0x53: {  	_ =	shalt  }
0x54: {  	_ =	shalt  }
0x55: {  	_ =	shalt  }
0x56: {  	_ =	shalt  }
0x57: {  	_ =	shalt  }
0x58: {  	_ =	shalt  }
0x59: {  	_ =	shalt  }
0x5a: {  	_ =	shalt  }
0x5b: {  	_ =	shalt  }
0x5c: {  	_ =	shalt  }
0x5d: {  	_ =	shalt  }
0x5e: {  	_ =	shalt  }
0x5f: {  	_ =	shalt  }
0x60: {  	_ =	shalt  }
0x61: {  	_ =	shalt  }
0x62: {  	_ =	shalt  }
0x63: {  	_ =	shalt  }
0x64: {  	_ =	shalt  }
0x65: {  	_ =	shalt  }
0x66: {  	_ =	shalt  }
0x67: {  	_ =	shalt  }
0x68: {  	_ =	shalt  }
0x69: {  	_ =	shalt  }
0x6a: {  	_ =	shalt  }
0x6b: {  	_ =	shalt  }
0x6c: {  	_ =	shalt  }
0x6d: {  	_ =	shalt  }
0x6e: {  	_ =	shalt  }
0x6f: {  	_ =	shalt  }
0x70: {  	_ =	shalt  }
0x71: {  	_ =	shalt  }
0x72: {  	_ =	shalt  }
0x73: {  	_ =	shalt  }
0x74: {  	_ =	shalt  }
0x75: {  	_ =	shalt  }
0x76: {  	_ =	shalt  }
0x77: {  	_ =	shalt  }
0x78: {  	_ =	shalt  }
0x79: {  	_ =	shalt  }
0x7a: {  	_ =	shalt  }
0x7b: {  	_ =	shalt  }
0x7c: {  	_ =	shalt  }
0x7d: {  	_ =	shalt  }
0x7e: {  	_ =	shalt  }
0x7f: {  	_ =	shalt  }
0x80: {  	_ =	shalt  }
0x81: {  	_ =	shalt  }
0x82: {  	_ =	shalt  }
0x83: {  	_ =	shalt  }
0x84: {  	_ =	shalt  }
0x85: {  	_ =	shalt  }
0x86: {  	_ =	shalt  }
0x87: {  	_ =	shalt  }
.Lfunc_end0:
.L_simem_size_0:
called_computation.1_lowered:
.L_overlay_start_0:
0x88: {  	s2 =	sld [smem:$0x3FD9]  }
0x89: {  	s3 =	sld [smem:$0x3FFE];
	_ =	sdelay $0x1  }
0x8a: {  	s1 =	srdreg.scid  }
0x8b: {  	s0 =	sand.u32 $0x1, s1  }
0x8c: {  	s14 =	sshll.u32 s0, $0xA;
	s2 =	sadd.s32 s3, s2  }
0x8d: {  	s2 =	sadd.s32 s2, s14  }
0x8e: {  	[smem:$0x3FC2] =	sst s2  }
0x8f: {  	_ = 	snop  }
0x90: {  	s2 =	sld [smem:$0x3FD0];
	_ =	sdelay $0x2  }
0x91: {  	s4 =	simm.s32 $0xA;
	s5 =	simm.s32 $0x10;
	s15 =	sld [smem:$0x3FC5]  }
0x92: {  	[smem:s5], [sflag:s4] =	dma.local [hbm:s2], $0x1  }
0x93: {  	_ =	swait.eq [sflag:s4], $0x1  }
0x94: {  	[sflag:s4] =	ssyncset.done $0x0  }
0x95: {  	s16 =	sld [smem:$0x10];
	[sflag:s4] =	ssyncadd.s32 $0xFFFFFFFF  }
0x96: {  	s17 =	sld [smem:$0x11];
	(tm) =	ssettm $0x1  }
0x97: {  	s18 =	sld [smem:$0x3FFB];
	_ =	sdelay $0x3  }
0x98: {  	_ =	strace s18  }
0x99: {  	s5 =	sld [smem:$0x3FFC];
	_ =	sdelay $0x3  }
0x9a: {  	_ =	strace s5  }
0x9b: {  	s5 =	sld [smem:$0x3FFD];
	_ =	sdelay $0x3  }
0x9c: {  	_ =	strace s5  }
0x9d: {  	_ =	strace $0x8FFFFFFF  }
0x9e: {  	s19 =	sld [smem:$0x3FDB];
	_ =	sdelay $0x1  }
0x9f: {  	s6 =	simm.s32 $_scs_section_size  }
0xa0: {  	s7 =	simm.s32 $_size__tile_overlayer_lowered;
	s8 =	simm.s32 $_tile_overlayer_lowered  }
0xa1: {  	s22 =	simm.s32 $0x1BFF;
	s21 =	sshll.u32 s8, $0x1;
	s5 =	sadd.s32 s6, s19  }
0xa2: {  	s9 =	simm.s32 $0x0;
	s20 =	sshll.u32 s7, $0x1;
	s7 =	sadd.s32 s21, s5  }
0xa3: {  	[timem:s9], [sflag:s22] =	dma.local [hbm:s7], s20  }
0xa4: {  	_ =	swait.ge [sflag:s22], s20  }
0xa5: {  	s6 =	ssub.s32 $0x0, s20;
	[sflag:s22] =	ssyncset.done $0x0  }
0xa6: {  	[sflag:s22] =	ssyncadd.s32 s6;
	_ =	sdelay $0x1  }
0xa7: {  	s23 =	simm.s32 $0x1B8B  }
0xa8: {  	_ =	swait.ge [sflag:s23], $0x1  }
0xa9: {  	[sflag:s23] =	ssyncset.done $0x0  }
0xaa: {  	s25 =	simm.s32 $0x1B8E;
	s24 =	sld [smem:$0x3FFE];
	[sflag:s23] =	ssyncadd.s32 $0xFFFFFFFF  }
0xab: {  	s26 =	simm.s32 $execute0_lowered;
	[smem:$0x3FD2] =	sst s25  }
0xac: {  	s7 =	sshll.u32 s26, $0x1;
	_ =	strace $0x80000046;
	[dreg:$0x1] =	wrdreg $0xFFFFFFFF  }
0xad: {  	s28 =	simm.s32 $_size_execute0_lowered;
	s5 =	sadd.s32 s5, s7;
	[dreg:$0x0] =	wrdreg $0x0  }
0xae: {  	s7 =	sshll.u32 s28, $0x1;
	[dreg:$0x2] =	wrdreg s5  }
0xaf: {  	[dreg:$0x3] =	wrdreg s7  }
0xb0: {  	[dreg:$0x4] =	wrdreg $0xC0  }
0xb1: {  	_ =	task [dreg:s9], $0x5FFFF  }
0xb2: {  	[dreg:$0x1] =	wrdreg $0xFFFFFFFF  }
0xb3: {  	[dreg:$0x0] =	wrdreg $0x60  }
0xb4: {  	[dreg:$0x2] =	wrdreg s24  }
0xb5: {  	[dreg:$0x3] =	wrdreg s17  }
0xb6: {  	[dreg:$0x4] =	wrdreg s15  }
0xb7: {  	[dreg:$0x5] =	wrdreg s16  }
0xb8: {  	[dreg:$0x6] =	wrdreg $0x9  }
0xb9: {  	_ =	task.clear_ibuf [dreg:s9], $0x7FFFF;
	_ =	strace $0x90000046  }
0xba: {  	s29 =	simm.s32 $0x9;
	_ =	strace $0x80000048  }
0xbb: {  	_ =	swait.ge [sflag:s29], $0x1  }
0xbc: {  	[sflag:s29] =	ssyncadd.s32 $0xFFFFFFFF  }
0xbd: {  	_ =	strace $0x90000048  }
0xbe: {  	_ =	sfence  }
0xbf: {  	s30 =	sld [smem:$0x0];
	_ =	sdelay $0x2  }
0xc0: {  	s31 =	sshll.u32 s1, $0xD;
	s1 =	sshrl.u32 s1, $0x2  }
0xc1: {  	s3 =	sand.u32 $0x4000, s31;
	s1 =	sadd.s32 s1, s30  }
0xc2: {  	s0 =	sor.u32 s3, s0;
	s1 =	sshll.u32 s1, $0x11  }
0xc3: {  	s0 =	sor.u32 s1, s0  }
0xc4: {  	s0 =	sadd.s32 $0x8F2B, s0  }
0xc5: {  	[sflag:s0] =	ssyncadd.remote.s32 $0x1  }
0xc6: {  	_ =	sfence.sel $0xFFFF  }
0xc7: {  	[dreg:$0x0] =	wrdreg $0xFFFFFFFF;
	(pc) =	sbr.abs _section_cstart, $3  }
0xc8: {  	[dreg:$0x1] =	wrdreg $0xFFFFFFFF  }
0xc9: {  	_ =	task.clear_ibuf [dreg:s9], $0x2FFFF;
	_ =	strace $0x9FFFFFFF  }
0xca: {  	(tm) =	ssettm $0x7FFFFFFF  }
0xcb: {  	_ =	shalt  }
tec
execute0_lowered:
.L_overlay_start_1:
0x0: {  	(tag) =	ssettag $0x1  }
0x1: {  	s0 =	rddreg [dreg:$0x0]  }
0x2: {  	s2 =	rddreg [dreg:$0x2]  }
0x3: {  	s3 =	rddreg [dreg:$0x3]  }
0x4: {  	s4 =	simm.s32 $0x0;
	s24 =	srdreg.scid;
	s6 =	stileid.u32  }
0x5: {  	s16 =	simm.s32 $0x12200;
	s17 =	simm.s32 $0x3;
	s19 =	simm.s32 $0x12380  }
0x6: {  	s20 =	simm.s32 $0xA00;
	s21 =	simm.s32 $0x1E00;
	s22 =	simm.s32 $0x3200  }
0x7: {  	s23 =	simm.s32 $0x8200;
	s28 =	simm.s32 $0xD200;
	s29 =	simm.s32 $0x12BD0  }
0x8: {  	s30 =	simm.s32 $0x0;
	[smem:$0x7FF] =	sst s4;
	s5 =	sadd.s32 $0x1E9200, s0  }
0x9: {  	s7 =	sadd.s32 $0x31A00, s0;
	s8 =	sadd.s32 $0xC00, s0;
	s1 =	sadd.s32 $0xA00, s0  }
0xa: {  	s9 =	sadd.s32 $0x800, s0;
	s6 =	sshll.u32 s6, $0x1;
	s11 =	sadd.s32 $0x62800, s0  }
0xb: {  	_ =	strace $0x80000047;
	[dreg:$0x5] =	wrdreg s1;
	s1 =	sand.u32 $0x1, s24  }
0xc: {  	[dreg:$0x6] =	wrdreg s9;
	s9 =	simm.s32 $0x12280;
	s25 =	ssub.s32 $0x2, s1  }
0xd: {  	vm0 =	vcmask $0x700;
	s24 =	simm.s32 $0x1;
	s12 =	sor.u32 s1, s6;
	s26 =	sshrl.u32 s25, $0x1  }
0xe: {  	v2 =	vimm.s32 $0x1;
	vm15 =	vcmask $0x300;
	v1 =	vimm.s32 $0x7FFFFFF0;
	s6 =	ssub.s32 $0x501, s12;
	s31 =	ssub.s32 $0x51, s12;
	s0 =	ssub.s32 s25, s26  }
0xf: {  	v3 =	vlaneseq.u32;
	v4 =	vimm.s32 $0x0;
	v0 =	vsel vm0, $0x0, v2;
	s13 =	sshrl.u32 s6, $0x5;
	s14 =	sshrl.u32 s31, $0x5;
	s0 =	smax.u32 s0, $0x1  }
0x10: {  	v2 =	vsel vm15, $0x0, v2;
	v5 =	vmul.u32 $0x2, v3;
	v6 =	vmul.u32 $0x8, v3;
	s25 =	simm.s32 $0x2;
	s26 =	simm.s32 $0x12300;
	[dreg:$0x7] =	wrdreg s0  }
.LBB2_1:
0x11: {  	s0 =	rddreg [dreg:$0x1]  }
0x12: {  	[tilespmem:s16], [sflag:$0x3] =	stream.linear.gather [hbm4b:s0+s4], $0x80, $0x38;
	[tilespmem:$0x16A50] =	vst v63  }
0x13: {  	_ =	swait.ge [sflag:s17], $0x80  }
0x14: {  	[sflag:s17] =	ssyncset.done $0x0  }
0x15: {  	s18 =	rddreg [dreg:$0x5];
	[sflag:s17] =	ssyncadd.s32 $0xFFFFFF80  }
0x16: {  	[tilespmem:s9], [sflag:$0x3] =	stream.linear.gather [hbm4b:s18+s4], $0x80, $0x38;
	[tilespmem:$0x16A50] =	vst v63  }
0x17: {  	_ =	swait.ge [sflag:s17], $0x80  }
0x18: {  	[sflag:s17] =	ssyncset.done $0x0  }
0x19: {  	s31 =	rddreg [dreg:$0x6];
	[sflag:s17] =	ssyncadd.s32 $0xFFFFFF80  }
0x1a: {  	[tilespmem:s19], [sflag:$0x3] =	stream.linear.gather [hbm4b:s31+s4], $0x80, $0x38;
	[tilespmem:$0x16A50] =	vst v63  }
0x1b: {  	_ =	swait.ge [sflag:s17], $0x80  }
0x1c: {  	[sflag:s17] =	ssyncset.done $0x0  }
0x1d: {  	s1 =	simm.s32 $0x0;
	s0 =	simm.s32 $0x40;
	[sflag:s17] =	ssyncadd.s32 $0xFFFFFF80  }
.LBB2_2:
0x1e: {  	p0 =	sne.s32 s0, $0x27C0;
	[tilespmem:s1+$0x1400] =	vst v1;
	s6 =	smov.u32 s0;
	s0 =	sadd.s32 $0x40, s0  }
.Ltmp0:
0x1f: {  	[tilespmem:s1+$0x2800] =	vst v1;
	(pc) =	sbr.rel @p0 .LBB2_2-.Ltmp0, $2  }
0x20: {  	_ =	sdelay $0x2  }
0x21: {  	s1 =	sshra.s32 s6, $0x2  }
0x22: {  	_ =	sdelay $0x1  }
0x23: {  	[tilespmem:s1+$0x1400] =	vst v1  }
0x24: {  	[tilespmem:s1+$0x2800] =	vst v1  }
0x25: {  	v7 =	vld.idx.msk [tilespmem:v0+s9+$0x0], $0xffff  }
0x26: {  	v8 =	vld.idx.msk [tilespmem:v2+s9+$0x0], $0xffff;
	_ =	sdelay $0x4  }
0x27: {  	v7 =	vadd.f32 v8, v7;
	_ =	sdelay $0x1  }
0x28: {  	v7 =	vmul.f32 $5.000000000e-01, v7;
	_ =	sdelay $0x1  }
0x29: {  	v8 =	vand.u32 $0x7FFFFF, v7  }
0x2a: {  	v8 =	vor.u32 $0x3F800000, v8  }
0x2b: {  	v9 =	vmul.f32 $5.000000000e-01, v8  }
0x2c: {  	vm0 =	vgt.f32 v8, $1.414213540e+00  }
0x2d: {  	v8 =	vsel vm0, v9, v8  }
0x2e: {  	v9 =	vadd.f32 $1.000000000e+00, v8;
	_ =	sdelay $0x1  }
0x2f: {  	(erf) = vrcp.f32 v9;
	_ =	sdelay $0x7  }
0x30: {  	v8 =	vadd.f32 $-1.000000000e+00, v8  }
0x31: {  	v9 =	vpop (erf)  }
0x32: {  	v8 =	vmul.f32 v9, v8;
	_ =	sdelay $0x1  }
0x33: {  	v9 =	vmul.f32 v8, v8;
	_ =	sdelay $0x1  }
0x34: {  	v10 =	vmul.f32 $2.857142980e-01, v9;
	_ =	sdelay $0x1  }
0x35: {  	v10 =	vadd.f32 $4.000000060e-01, v10;
	_ =	sdelay $0x1  }
0x36: {  	v10 =	vmul.f32 v10, v9;
	_ =	sdelay $0x1  }
0x37: {  	v10 =	vadd.f32 $6.666666860e-01, v10  }
0x38: {  	v7 =	vshra.s32 v7, $0x17;
	v11 =	vsel vm0, $0x1, v4  }
0x39: {  	v7 =	vadd.s32 v11, v7;
	v9 =	vmul.f32 v10, v9  }
0x3a: {  	v7 =	vadd.s32 $0xFFFFFF81, v7  }
0x3b: {  	v7 =	vcvt.s32.f32 v7;
	v9 =	vadd.f32 $2.000000000e+00, v9;
	_ =	sdelay $0x1  }
0x3c: {  	v7 =	vmul.f32 $6.931471820e-01, v7;
	v8 =	vmul.f32 v9, v8;
	_ =	sdelay $0x1  }
0x3d: {  	v7 =	vadd.f32 v8, v7;
	_ =	sdelay $0x1  }
0x3e: {  	s31 =	simm.s32 $0x0;
	s0 =	simm.s32 $0x0;
	[tilespmem:$0x12300] =	vst v7  }
.LBB2_4:
0x3f: {  	s1 =	sshll.u32 s0, $0x5  }
0x40: {  	s6 =	sor.u32 s12, s1  }
0x41: {  	s1 =	smul.u32 $0x500, s6;
	_ =	sdelay $0x1  }
0x42: {  	s1 =	sshrl.u32 s1, $0x3  }
0x43: {  	s9 =	sadd.s32 s7, s1  }
0x44: {  	[tilespmem:s31], [sflag:$0x3] =	stream.linear.gather [hbm4b:s9+s31], $0x500, $0x38;
	[tilespmem:$0x16A50] =	vst v63  }
0x45: {  	_ =	swait.ge [sflag:s17], $0x500  }
0x46: {  	[sflag:s17] =	ssyncset.done $0x0  }
0x47: {  	s18 =	sadd.s32 s8, s1;
	s1 =	simm.s32 $0x500;
	[sflag:s17] =	ssyncadd.s32 $0xFFFFFB00  }
0x48: {  	[tilespmem:s1], [sflag:$0x3] =	stream.linear.gather [hbm4b:s18+s31], $0x500, $0x38;
	[tilespmem:$0x16A50] =	vst v63  }
0x49: {  	_ =	swait.ge [sflag:s17], $0x500  }
0x4a: {  	[sflag:s17] =	ssyncset.done $0x0  }
0x4b: {  	v7 =	vmov s31;
	[sflag:s17] =	ssyncadd.s32 $0xFFFFFB00  }
0x4c: {  	v7 =	vshll.u32 v7, $0x1;
	v8 =	vld [tilespmem:s31+$0x0]  }
0x4d: {  	v7 =	vor.u32 v5, v7;
	_ =	sdelay $0x3  }
0x4e: {  	v8 =	vshll.u32 v8, $0x1  }
0x4f: {  	[tilespmem:v7+s20+$0x0] =	vst.idx.msk $0xffff, v8  }
0x50: {  	v8 =	vld [tilespmem:s1+$0x0];
	_ =	sdelay $0x4  }
0x51: {  	s10 =	simm.s32 $0x10;
	s15 =	simm.s32 $0x20;
	s9 =	simm.s32 $0x0;
	v8 =	vshll.u32 v8, $0x1  }
.LBB2_5:
0x52: {  	s9 =	sadd.s32 $0x10, s9  }
0x53: {  	v9 =	vmov s10;
	[tilespmem:v7+s21+$0x0] =	vst.idx.msk $0xffff, v8;
	s1 =	sadd.s32 $0x10, s1;
	s10 =	smov.u32 s15;
	s18 =	sadd.s32 $0x10, s15  }
0x54: {  	p0 =	sne.s32 s15, $0x4F0;
	v7 =	vshll.u32 v9, $0x1;
	v8 =	vld [tilespmem:s9+$0x0]  }
0x55: {  	v7 =	vor.u32 v5, v7;
	_ =	sdelay $0x3  }
0x56: {  	v8 =	vshll.u32 v8, $0x1  }
0x57: {  	[tilespmem:v7+s20+$0x0] =	vst.idx.msk $0xffff, v8  }
0x58: {  	v8 =	vld [tilespmem:s1+$0x0]  }
.Ltmp1:
0x59: {  	(pc) =	sbr.rel @p0 .LBB2_5-.Ltmp1, $2  }
0x5a: {  	_ =	sdelay $0x2  }
0x5b: {  	s15 =	smov.u32 s18;
	v8 =	vshll.u32 v8, $0x1  }
0x5c: {  	_ =	sdelay $0x3  }
0x5d: {  	v9 =	vmov s10;
	[tilespmem:v7+s21+$0x0] =	vst.idx.msk $0xffff, v8;
	s9 =	sadd.s32 $0x10, s9  }
0x5e: {  	v7 =	vshll.u32 v9, $0x1;
	v8 =	vld [tilespmem:s9+$0x0]  }
0x5f: {  	v7 =	vor.u32 v5, v7;
	_ =	sdelay $0x3  }
0x60: {  	v8 =	vshll.u32 v8, $0x1  }
0x61: {  	s1 =	sadd.s32 $0x10, s1;
	[tilespmem:v7+s20+$0x0] =	vst.idx.msk $0xffff, v8  }
0x62: {  	v8 =	vld [tilespmem:s1+$0x0];
	_ =	sdelay $0x4  }
0x63: {  	v8 =	vshll.u32 v8, $0x1  }
0x64: {  	[tilespmem:v7+s21+$0x0] =	vst.idx.msk $0xffff, v8  }
0x65: {  	[tilespmem:s22], [sflag:$0x1] =	stream.indirect.gather [hbm4b:s5+s20], $0x4, s20, s20, $0xb8;
	[tilespmem:$0x16A50] =	vst v63  }
0x66: {  	_ = 	snop  }
0x67: {  	[tilespmem:s23], [sflag:$0x2] =	stream.indirect.gather [hbm4b:s5+s20], $0x4, s21, s20, $0xb8;
	[tilespmem:$0x16A50] =	vst v63  }
0x68: {  	_ =	swait.ge [sflag:s24], $0x2800  }
0x69: {  	[sflag:s24] =	ssyncset.done $0x0  }
0x6a: {  	[sflag:s24] =	ssyncadd.s32 $0xFFFFD800  }
0x6b: {  	_ =	swait.ge [sflag:s25], $0x2800  }
0x6c: {  	[sflag:s25] =	ssyncset.done $0x0  }
0x6d: {  	s1 =	simm.s32 $0x0;
	[sflag:s25] =	ssyncadd.s32 $0xFFFFD800  }
.LBB2_7:
0x6e: {  	v10 =	vor.u32 s1, v3  }
0x6f: {  	v7 =	vshll.u32 v10, $0x3;
	_ =	sdelay $0x1  }
0x70: {  	v8 =	vor.u32 $0x1, v7;
	_ =	sdelay $0x1  }
0x71: {  	v9 =	vor.u32 $0x2, v7  }
0x72: {  	v11 =	vld.idx.msk [tilespmem:v7+s22+$0x0], $0xffff  }
0x73: {  	v13 =	vld.idx.msk [tilespmem:v7+s23+$0x0], $0xffff  }
0x74: {  	v12 =	vld.idx.msk [tilespmem:v8+s22+$0x0], $0xffff  }
0x75: {  	v8 =	vld.idx.msk [tilespmem:v8+s23+$0x0], $0xffff  }
0x76: {  	v14 =	vld.idx.msk [tilespmem:v9+s22+$0x0], $0xffff  }
0x77: {  	v9 =	vld.idx.msk [tilespmem:v9+s23+$0x0], $0xffff;
	_ =	sdelay $0x2  }
0x78: {  	v11 =	vsub.f32 v13, v11;
	v8 =	vsub.f32 v8, v12;
	_ =	sdelay $0x1  }
0x79: {  	v9 =	vsub.f32 v9, v14;
	v11 =	vmul.f32 v11, v11;
	v8 =	vmul.f32 v8, v8;
	_ =	sdelay $0x1  }
0x7a: {  	v9 =	vmul.f32 v9, v9;
	v8 =	vadd.f32 v8, v11;
	_ =	sdelay $0x1  }
0x7b: {  	v8 =	vadd.f32 v9, v8;
	_ =	sdelay $0x1  }
0x7c: {  	v8 =	vadd.f32 $9.999999960e-13, v8;
	_ =	sdelay $0x1  }
0x7d: {  	v33 =	vshra.s32 v8, $0x1;
	v34 =	vmul.f32 $5.000000000e-01, v8  }
0x7e: {  	v9 =	vsub.s32 $0x5F3759DF, v33  }
0x7f: {  	v35 =	vmul.f32 v9, v34  }
0x80: {  	v36 =	vand.u32 $0x7FFFFF, v8  }
0x81: {  	v13 =	vor.u32 $0x3F800000, v36;
	v12 =	vmul.f32 v9, v35  }
0x82: {  	v37 =	vmul.f32 $5.000000000e-01, v13  }
0x83: {  	vm0 =	vgt.f32 v13, $1.414213540e+00;
	v12 =	vsub.f32 $1.500000000e+00, v12  }
0x84: {  	v13 =	vsel vm0, v37, v13  }
0x85: {  	v38 =	vadd.f32 $1.000000000e+00, v13;
	v9 =	vmul.f32 v9, v12;
	_ =	sdelay $0x1  }
0x86: {  	(erf) = vrcp.f32 v38;
	v39 =	vmul.f32 v9, v34;
	_ =	sdelay $0x1  }
0x87: {  	v40 =	vmul.f32 v39, v9;
	_ =	sdelay $0x1  }
0x88: {  	v7 =	vor.u32 $0x3, v7;
	v12 =	vsub.f32 $1.500000000e+00, v40;
	_ =	sdelay $0x1  }
0x89: {  	v9 =	vmul.f32 v12, v9;
	_ =	sdelay $0x1  }
0x8a: {  	v41 =	vadd.f32 $-1.000000000e+00, v13;
	v11 =	vmul.f32 v9, v34  }
0x8b: {  	v42 =	vld.idx.msk [tilespmem:v7+s22+$0x0], $0xffff;
	v43 =	vpop (erf)  }
0x8c: {  	v7 =	vld.idx.msk [tilespmem:v7+s23+$0x0], $0xffff;
	v12 =	vmul.f32 v43, v41;
	v11 =	vmul.f32 v11, v9;
	_ =	sdelay $0x1  }
0x8d: {  	v14 =	vmul.f32 v12, v12;
	v11 =	vsub.f32 $1.500000000e+00, v11;
	_ =	sdelay $0x1  }
0x8e: {  	v44 =	vmul.f32 $2.857142980e-01, v14;
	v9 =	vmul.f32 v11, v9  }
0x8f: {  	v7 =	vadd.f32 v7, v42  }
0x90: {  	v11 =	vadd.f32 $4.000000060e-01, v44;
	v9 =	vmul.f32 v9, v8  }
0x91: {  	v7 =	vtrunc.f32 v7  }
0x92: {  	v45 =	vcvt.f32.s32 v7;
	v11 =	vmul.f32 v11, v14;
	v7 =	vadd.f32 $-6.000000000e+00, v9  }
0x93: {  	v46 =	vsel vm0, $0x1, v4;
	v8 =	vshra.s32 v8, $0x17  }
0x94: {  	v11 =	vadd.f32 $6.666666860e-01, v11;
	v15 =	vmul.f32 $5.000000000e+00, v7;
	v7 =	vmul.u32 $0x1A, v45  }
0x95: {  	v8 =	vadd.s32 v46, v8  }
0x96: {  	v47 =	vmul.f32 v11, v14;
	v48 =	vmin.f32 v15, $8.500000000e+01;
	v49 =	vor.u32 $0x1, v7  }
0x97: {  	v8 =	vadd.s32 $0xFFFFFF81, v8;
	v11 =	vmul.f32 $1.442695020e+00, v48  }
0x98: {  	v8 =	vcvt.s32.f32 v8;
	v9 =	vadd.f32 $2.000000000e+00, v47  }
0x99: {  	(erf) = vpow2.f32 v11  }
0x9a: {  	v50 =	vld.idx.msk [tilespmem:v45+s26+$0x0], $0xffff;
	v8 =	vmul.f32 $6.931471820e-01, v8;
	v9 =	vmul.f32 v9, v12  }
0x9b: {  	v51 =	vld.idx.msk [tilespmem:v49+s16+$0x0], $0xffff  }
0x9c: {  	v8 =	vadd.f32 v9, v8;
	_ =	sdelay $0x1  }
0x9d: {  	v8 =	vmul.f32 $5.000000000e-01, v8;
	_ =	sdelay $0x1  }
0x9e: {  	v8 =	vsub.f32 v50, v8;
	v52 =	vadd.f32 $1.000000000e+00, v51;
	_ =	sdelay $0x1  }
0x9f: {  	v53 =	vpop (erf);
	v9 =	vmul.f32 v8, v52  }
0xa0: {  	v11 =	vadd.f32 $1.000000000e+00, v53  }
0xa1: {  	v9 =	vmul.f32 $1.442695020e+00, v9  }
0xa2: {  	(erf) = vrcp.f32 v11  }
0xa3: {  	(erf) = vpow2.f32 v9;
	_ =	sdelay $0x4  }
0xa4: {  	v54 =	vld.idx.msk [tilespmem:v7+s16+$0x0], $0xffff;
	_ =	sdelay $0x2  }
0xa5: {  	v9 =	vpop (erf)  }
0xa6: {  	v10 =	vshll.u32 v10, $0x4;
	v55 =	vpop (erf)  }
0xa7: {  	v56 =	vadd.s32 $0x3, v7;
	v11 =	vmul.f32 v55, v54;
	_ =	sdelay $0x1  }
0xa8: {  	v11 =	vmul.f32 v9, v11;
	_ =	sdelay $0x1  }
0xa9: {  	[tilespmem:v10+s28+$0x0] =	vst.idx.msk $0xffff, v11  }
0xaa: {  	v11 =	vld.idx.msk [tilespmem:v56+s16+$0x0], $0xffff;
	_ =	sdelay $0x4  }
0xab: {  	v11 =	vadd.f32 $1.000000000e+00, v11;
	_ =	sdelay $0x1  }
0xac: {  	v11 =	vmul.f32 v8, v11;
	_ =	sdelay $0x1  }
0xad: {  	v11 =	vmul.f32 $1.442695020e+00, v11;
	_ =	sdelay $0x1  }
0xae: {  	v57 =	vadd.s32 $0x2, v7;
	(erf) = vpow2.f32 v11;
	_ =	sdelay $0x4  }
0xaf: {  	v58 =	vld.idx.msk [tilespmem:v57+s16+$0x0], $0xffff;
	_ =	sdelay $0x3  }
0xb0: {  	v60 =	vor.u32 $0x1, v10;
	v59 =	vpop (erf)  }
0xb1: {  	v61 =	vadd.s32 $0x5, v7;
	v11 =	vmul.f32 v59, v58;
	_ =	sdelay $0x1  }
0xb2: {  	v11 =	vmul.f32 v9, v11;
	_ =	sdelay $0x1  }
0xb3: {  	[tilespmem:v60+s28+$0x0] =	vst.idx.msk $0xffff, v11  }
0xb4: {  	v11 =	vld.idx.msk [tilespmem:v61+s16+$0x0], $0xffff;
	_ =	sdelay $0x4  }
0xb5: {  	v11 =	vadd.f32 $1.000000000e+00, v11;
	_ =	sdelay $0x1  }
0xb6: {  	v11 =	vmul.f32 v8, v11;
	_ =	sdelay $0x1  }
0xb7: {  	v11 =	vmul.f32 $1.442695020e+00, v11;
	_ =	sdelay $0x1  }
0xb8: {  	v62 =	vadd.s32 $0x4, v7;
	(erf) = vpow2.f32 v11;
	_ =	sdelay $0x4  }
0xb9: {  	v63 =	vld.idx.msk [tilespmem:v62+s16+$0x0], $0xffff;
	_ =	sdelay $0x3  }
0xba: {  	v17 =	vor.u32 $0x2, v10;
	v16 =	vpop (erf)  }
0xbb: {  	v18 =	vadd.s32 $0x7, v7;
	v11 =	vmul.f32 v16, v63;
	_ =	sdelay $0x1  }
0xbc: {  	v11 =	vmul.f32 v9, v11;
	_ =	sdelay $0x1  }
0xbd: {  	[tilespmem:v17+s28+$0x0] =	vst.idx.msk $0xffff, v11  }
0xbe: {  	v11 =	vld.idx.msk [tilespmem:v18+s16+$0x0], $0xffff;
	_ =	sdelay $0x4  }
0xbf: {  	v11 =	vadd.f32 $1.000000000e+00, v11;
	_ =	sdelay $0x1  }
0xc0: {  	v11 =	vmul.f32 v8, v11;
	_ =	sdelay $0x1  }
0xc1: {  	v11 =	vmul.f32 $1.442695020e+00, v11;
	_ =	sdelay $0x1  }
0xc2: {  	v19 =	vadd.s32 $0x6, v7;
	(erf) = vpow2.f32 v11;
	_ =	sdelay $0x4  }
0xc3: {  	v20 =	vld.idx.msk [tilespmem:v19+s16+$0x0], $0xffff;
	_ =	sdelay $0x3  }
0xc4: {  	v22 =	vor.u32 $0x3, v10;
	v21 =	vpop (erf)  }
0xc5: {  	v23 =	vadd.s32 $0x9, v7;
	v11 =	vmul.f32 v21, v20;
	_ =	sdelay $0x1  }
0xc6: {  	v11 =	vmul.f32 v9, v11;
	_ =	sdelay $0x1  }
0xc7: {  	[tilespmem:v22+s28+$0x0] =	vst.idx.msk $0xffff, v11  }
0xc8: {  	v11 =	vld.idx.msk [tilespmem:v23+s16+$0x0], $0xffff;
	_ =	sdelay $0x4  }
0xc9: {  	v11 =	vadd.f32 $1.000000000e+00, v11;
	_ =	sdelay $0x1  }
0xca: {  	v11 =	vmul.f32 v8, v11;
	_ =	sdelay $0x1  }
0xcb: {  	v11 =	vmul.f32 $1.442695020e+00, v11;
	_ =	sdelay $0x1  }
0xcc: {  	v24 =	vadd.s32 $0x8, v7;
	(erf) = vpow2.f32 v11;
	_ =	sdelay $0x4  }
0xcd: {  	v25 =	vld.idx.msk [tilespmem:v24+s16+$0x0], $0xffff;
	_ =	sdelay $0x3  }
0xce: {  	v27 =	vor.u32 $0x4, v10;
	v26 =	vpop (erf)  }
0xcf: {  	v28 =	vadd.s32 $0xB, v7;
	v11 =	vmul.f32 v26, v25;
	_ =	sdelay $0x1  }
0xd0: {  	v11 =	vmul.f32 v9, v11;
	_ =	sdelay $0x1  }
0xd1: {  	[tilespmem:v27+s28+$0x0] =	vst.idx.msk $0xffff, v11  }
0xd2: {  	v11 =	vld.idx.msk [tilespmem:v28+s16+$0x0], $0xffff;
	_ =	sdelay $0x4  }
0xd3: {  	v11 =	vadd.f32 $1.000000000e+00, v11;
	_ =	sdelay $0x1  }
0xd4: {  	v11 =	vmul.f32 v8, v11;
	_ =	sdelay $0x1  }
0xd5: {  	v11 =	vmul.f32 $1.442695020e+00, v11;
	_ =	sdelay $0x1  }
0xd6: {  	v29 =	vadd.s32 $0xA, v7;
	(erf) = vpow2.f32 v11;
	_ =	sdelay $0x4  }
0xd7: {  	v30 =	vld.idx.msk [tilespmem:v29+s16+$0x0], $0xffff;
	_ =	sdelay $0x3  }
0xd8: {  	v32 =	vor.u32 $0x5, v10;
	v31 =	vpop (erf)  }
0xd9: {  	v33 =	vadd.s32 $0xD, v7;
	v11 =	vmul.f32 v31, v30;
	_ =	sdelay $0x1  }
0xda: {  	v11 =	vmul.f32 v9, v11;
	_ =	sdelay $0x1  }
0xdb: {  	[tilespmem:v32+s28+$0x0] =	vst.idx.msk $0xffff, v11  }
0xdc: {  	v11 =	vld.idx.msk [tilespmem:v33+s16+$0x0], $0xffff;
	_ =	sdelay $0x4  }
0xdd: {  	v11 =	vadd.f32 $1.000000000e+00, v11;
	_ =	sdelay $0x1  }
0xde: {  	v11 =	vmul.f32 v8, v11;
	_ =	sdelay $0x1  }
0xdf: {  	v11 =	vmul.f32 $1.442695020e+00, v11;
	_ =	sdelay $0x1  }
0xe0: {  	v34 =	vadd.s32 $0xC, v7;
	(erf) = vpow2.f32 v11;
	_ =	sdelay $0x4  }
0xe1: {  	v35 =	vld.idx.msk [tilespmem:v34+s16+$0x0], $0xffff;
	_ =	sdelay $0x3  }
0xe2: {  	v37 =	vor.u32 $0x6, v10;
	v36 =	vpop (erf)  }
0xe3: {  	v38 =	vadd.s32 $0xF, v7;
	v11 =	vmul.f32 v36, v35;
	_ =	sdelay $0x1  }
0xe4: {  	v11 =	vmul.f32 v9, v11;
	_ =	sdelay $0x1  }
0xe5: {  	[tilespmem:v37+s28+$0x0] =	vst.idx.msk $0xffff, v11  }
0xe6: {  	v11 =	vld.idx.msk [tilespmem:v38+s16+$0x0], $0xffff;
	_ =	sdelay $0x4  }
0xe7: {  	v11 =	vadd.f32 $1.000000000e+00, v11;
	_ =	sdelay $0x1  }
0xe8: {  	v11 =	vmul.f32 v11, v8;
	_ =	sdelay $0x1  }
0xe9: {  	v11 =	vmul.f32 $1.442695020e+00, v11;
	_ =	sdelay $0x1  }
0xea: {  	v39 =	vadd.s32 $0xE, v7;
	(erf) = vpow2.f32 v11;
	_ =	sdelay $0x4  }
0xeb: {  	v40 =	vld.idx.msk [tilespmem:v39+s16+$0x0], $0xffff;
	_ =	sdelay $0x3  }
0xec: {  	v42 =	vor.u32 $0x7, v10;
	v41 =	vpop (erf)  }
0xed: {  	v43 =	vadd.s32 $0x11, v7;
	v11 =	vmul.f32 v41, v40;
	_ =	sdelay $0x1  }
0xee: {  	v11 =	vmul.f32 v11, v9;
	_ =	sdelay $0x1  }
0xef: {  	[tilespmem:v42+s28+$0x0] =	vst.idx.msk $0xffff, v11  }
0xf0: {  	v11 =	vld.idx.msk [tilespmem:v43+s16+$0x0], $0xffff;
	_ =	sdelay $0x4  }
0xf1: {  	v11 =	vadd.f32 $1.000000000e+00, v11;
	_ =	sdelay $0x1  }
0xf2: {  	v11 =	vmul.f32 v11, v8;
	_ =	sdelay $0x1  }
0xf3: {  	v11 =	vmul.f32 $1.442695020e+00, v11;
	_ =	sdelay $0x1  }
0xf4: {  	v44 =	vadd.s32 $0x10, v7;
	(erf) = vpow2.f32 v11;
	_ =	sdelay $0x4  }
0xf5: {  	v45 =	vld.idx.msk [tilespmem:v44+s16+$0x0], $0xffff;
	_ =	sdelay $0x3  }
0xf6: {  	v47 =	vor.u32 $0x8, v10;
	v46 =	vpop (erf)  }
0xf7: {  	v48 =	vadd.s32 $0x13, v7;
	v11 =	vmul.f32 v46, v45;
	_ =	sdelay $0x1  }
0xf8: {  	v11 =	vmul.f32 v11, v9;
	_ =	sdelay $0x1  }
0xf9: {  	[tilespmem:v47+s28+$0x0] =	vst.idx.msk $0xffff, v11  }
0xfa: {  	v11 =	vld.idx.msk [tilespmem:v48+s16+$0x0], $0xffff;
	_ =	sdelay $0x4  }
0xfb: {  	v11 =	vadd.f32 $1.000000000e+00, v11;
	_ =	sdelay $0x1  }
0xfc: {  	v11 =	vmul.f32 v11, v8;
	_ =	sdelay $0x1  }
0xfd: {  	v11 =	vmul.f32 $1.442695020e+00, v11;
	_ =	sdelay $0x1  }
0xfe: {  	v49 =	vadd.s32 $0x12, v7;
	(erf) = vpow2.f32 v11;
	_ =	sdelay $0x4  }
0xff: {  	v50 =	vld.idx.msk [tilespmem:v49+s16+$0x0], $0xffff;
	_ =	sdelay $0x3  }
0x100: {  	v52 =	vor.u32 $0x9, v10;
	v51 =	vpop (erf)  }
0x101: {  	v53 =	vadd.s32 $0x15, v7;
	v11 =	vmul.f32 v51, v50;
	_ =	sdelay $0x1  }
0x102: {  	v11 =	vmul.f32 v11, v9;
	_ =	sdelay $0x1  }
0x103: {  	[tilespmem:v52+s28+$0x0] =	vst.idx.msk $0xffff, v11  }
0x104: {  	v11 =	vld.idx.msk [tilespmem:v53+s16+$0x0], $0xffff;
	_ =	sdelay $0x4  }
0x105: {  	v11 =	vadd.f32 $1.000000000e+00, v11;
	_ =	sdelay $0x1  }
0x106: {  	v11 =	vmul.f32 v11, v8;
	_ =	sdelay $0x1  }
0x107: {  	v11 =	vmul.f32 $1.442695020e+00, v11;
	_ =	sdelay $0x1  }
0x108: {  	v54 =	vadd.s32 $0x14, v7;
	(erf) = vpow2.f32 v11;
	_ =	sdelay $0x4  }
0x109: {  	v55 =	vld.idx.msk [tilespmem:v54+s16+$0x0], $0xffff;
	_ =	sdelay $0x3  }
0x10a: {  	v57 =	vor.u32 $0xA, v10;
	v56 =	vpop (erf)  }
0x10b: {  	v58 =	vadd.s32 $0x17, v7;
	v11 =	vmul.f32 v56, v55;
	_ =	sdelay $0x1  }
0x10c: {  	v11 =	vmul.f32 v11, v9;
	_ =	sdelay $0x1  }
0x10d: {  	[tilespmem:v57+s28+$0x0] =	vst.idx.msk $0xffff, v11  }
0x10e: {  	v11 =	vld.idx.msk [tilespmem:v58+s16+$0x0], $0xffff;
	_ =	sdelay $0x4  }
0x10f: {  	v11 =	vadd.f32 $1.000000000e+00, v11;
	_ =	sdelay $0x1  }
0x110: {  	v11 =	vmul.f32 v11, v8;
	_ =	sdelay $0x1  }
0x111: {  	v11 =	vmul.f32 $1.442695020e+00, v11;
	_ =	sdelay $0x1  }
0x112: {  	v59 =	vadd.s32 $0x16, v7;
	(erf) = vpow2.f32 v11;
	_ =	sdelay $0x4  }
0x113: {  	v60 =	vld.idx.msk [tilespmem:v59+s16+$0x0], $0xffff;
	_ =	sdelay $0x3  }
0x114: {  	v62 =	vor.u32 $0xB, v10;
	v61 =	vpop (erf)  }
0x115: {  	v63 =	vadd.s32 $0x19, v7;
	v11 =	vmul.f32 v61, v60;
	_ =	sdelay $0x1  }
0x116: {  	v11 =	vmul.f32 v11, v9;
	_ =	sdelay $0x1  }
0x117: {  	[tilespmem:v62+s28+$0x0] =	vst.idx.msk $0xffff, v11  }
0x118: {  	v11 =	vld.idx.msk [tilespmem:v63+s16+$0x0], $0xffff;
	_ =	sdelay $0x4  }
0x119: {  	v11 =	vadd.f32 $1.000000000e+00, v11;
	_ =	sdelay $0x1  }
0x11a: {  	v8 =	vmul.f32 v11, v8;
	_ =	sdelay $0x1  }
0x11b: {  	v8 =	vmul.f32 $1.442695020e+00, v8;
	_ =	sdelay $0x1  }
0x11c: {  	v7 =	vadd.s32 $0x18, v7;
	(erf) = vpow2.f32 v8;
	_ =	sdelay $0x4  }
0x11d: {  	v7 =	vld.idx.msk [tilespmem:v7+s16+$0x0], $0xffff;
	_ =	sdelay $0x3  }
0x11e: {  	p0 =	sne.s32 s1, $0x4F0;
	v10 =	vor.u32 $0xC, v10;
	v8 =	vpop (erf)  }
.Ltmp2:
0x11f: {  	v7 =	vmul.f32 v8, v7;
	(pc) =	sbr.rel @p0 .LBB2_7-.Ltmp2, $3  }
0x120: {  	_ = 	snop  }
0x121: {  	v7 =	vmul.f32 v7, v9;
	_ =	sdelay $0x1  }
0x122: {  	s1 =	sadd.s32 $0x10, s1;
	[tilespmem:v10+s28+$0x0] =	vst.idx.msk $0xffff, v7  }
0x123: {  	s1 =	smul.u32 $0x5000, s6  }
0x124: {  	s0 =	sadd.s32 $0x1, s0  }
0x125: {  	p0 =	sne.s32 s0, s13;
	s1 =	sshrl.u32 s1, $0x3  }
.Ltmp3:
0x126: {  	s18 =	sadd.s32 s3, s1;
	s1 =	simm.s32 $0x0;
	(pc) =	sbr.rel @p0 .LBB2_4-.Ltmp3, $4  }
0x127: {  	[hbm4b:s18+s1] =	stream.linear.scatter [tilespmem:s28], [sflag:$0x3], $0x5000, $0x38;
	[tilespmem:$0x16A50] =	vst v63  }
0x128: {  	_ =	swait.ge [sflag:s17], $0x5000  }
0x129: {  	[sflag:s17] =	ssyncset.done $0x0  }
0x12a: {  	[sflag:s17] =	ssyncadd.s32 $0xFFFFB000  }
0x12b: {  	s0 =	simm.s32 $0x0  }
.LBB2_10:
0x12c: {  	s6 =	sshll.u32 s0, $0x5  }
0x12d: {  	s6 =	sor.u32 s12, s6  }
0x12e: {  	s9 =	smul.u32 $0xFA, s6;
	_ =	sdelay $0x1  }
0x12f: {  	s31 =	simm.s32 $0x12400;
	s9 =	sadd.s32 s2, s9  }
0x130: {  	[tilespmem:s31], [sflag:$0x3] =	stream.linear.gather [hbm4b:s9+s1], $0x7D0, $0x38;
	[tilespmem:$0x16A50] =	vst v63  }
0x131: {  	_ =	swait.ge [sflag:s17], $0x7D0  }
0x132: {  	[sflag:s17] =	ssyncset.done $0x0  }
0x133: {  	[sflag:s17] =	ssyncadd.s32 $0xFFFFF830  }
0x134: {  	v7 =	vld [tilespmem:s31+$0x0];
	_ =	sdelay $0x4  }
0x135: {  	v7 =	vmul.u32 $0x3, v7;
	_ =	sdelay $0x3  }
0x136: {  	v8 =	vmov s1  }
0x137: {  	v8 =	vshll.u32 v8, $0x3  }
0x138: {  	v8 =	vor.u32 v6, v8;
	v9 =	vld.idx.msk [tilespmem:v7+s19+$0x0], $0xffff  }
0x139: {  	v10 =	vadd.s32 $0x1, v7;
	_ =	sdelay $0x3  }
0x13a: {  	[tilespmem:v8+s29+$0x0] =	vst.idx.msk $0xffff, v9  }
0x13b: {  	v9 =	vld.idx.msk [tilespmem:v10+s19+$0x0], $0xffff;
	v10 =	vor.u32 $0x1, v8  }
0x13c: {  	v7 =	vadd.s32 $0x2, v7;
	_ =	sdelay $0x3  }
0x13d: {  	[tilespmem:v10+s29+$0x0] =	vst.idx.msk $0xffff, v9  }
0x13e: {  	s9 =	simm.s32 $0x10;
	v8 =	vor.u32 $0x2, v8;
	v7 =	vld.idx.msk [tilespmem:v7+s19+$0x0], $0xffff  }
.LBB2_11:
0x13f: {  	_ =	sdelay $0x2  }
0x140: {  	p0 =	sne.s32 s9, $0x7C0  }
0x141: {  	s31 =	sadd.s32 $0x10, s31;
	s10 =	smov.u32 s9;
	s9 =	sadd.s32 $0x10, s9;
	[tilespmem:v8+s29+$0x0] =	vst.idx.msk $0xffff, v7  }
0x142: {  	v7 =	vld [tilespmem:s31+$0x0];
	_ =	sdelay $0x4  }
0x143: {  	v7 =	vmul.u32 $0x3, v7;
	_ =	sdelay $0x4  }
0x144: {  	v8 =	vmov s10  }
0x145: {  	v8 =	vshll.u32 v8, $0x3;
	v9 =	vld.idx.msk [tilespmem:v7+s19+$0x0], $0xffff  }
0x146: {  	v8 =	vor.u32 v6, v8  }
0x147: {  	v10 =	vadd.s32 $0x1, v7;
	_ =	sdelay $0x3  }
0x148: {  	[tilespmem:v8+s29+$0x0] =	vst.idx.msk $0xffff, v9  }
0x149: {  	v9 =	vld.idx.msk [tilespmem:v10+s19+$0x0], $0xffff  }
0x14a: {  	v10 =	vor.u32 $0x1, v8  }
0x14b: {  	v7 =	vadd.s32 $0x2, v7;
	_ =	sdelay $0x1  }
.Ltmp4:
0x14c: {  	(pc) =	sbr.rel @p0 .LBB2_11-.Ltmp4, $4  }
0x14d: {  	_ = 	snop  }
0x14e: {  	[tilespmem:v10+s29+$0x0] =	vst.idx.msk $0xffff, v9  }
0x14f: {  	v7 =	vld.idx.msk [tilespmem:v7+s19+$0x0], $0xffff  }
0x150: {  	v8 =	vor.u32 $0x2, v8  }
0x151: {  	_ =	sdelay $0x1  }
0x152: {  	s6 =	smul.u32 $0x7D0, s6;
	s0 =	sadd.s32 $0x1, s0  }
0x153: {  	p0 =	sne.s32 s0, s14  }
.Ltmp5:
0x154: {  	s6 =	sadd.s32 s11, s6;
	[tilespmem:v8+s29+$0x0] =	vst.idx.msk $0xffff, v7;
	(pc) =	sbr.rel @p0 .LBB2_10-.Ltmp5, $4  }
0x155: {  	[hbm4b:s6+s4] =	stream.linear.scatter [tilespmem:s29], [sflag:$0x3], $0x3E80, $0x38;
	[tilespmem:$0x16A50] =	vst v63  }
0x156: {  	_ =	swait.ge [sflag:s17], $0x3E80  }
0x157: {  	[sflag:s17] =	ssyncset.done $0x0  }
0x158: {  	[sflag:s17] =	ssyncadd.s32 $0xFFFFC180  }
0x159: {  	s30 =	sadd.s32 $0x1, s30;
	s0 =	rddreg [dreg:$0x7]  }
0x15a: {  	p0 =	sne.s32 s30, s0  }
.Ltmp6:
0x15b: {  	_ = 	snop;
	(pc) =	sbr.rel @p0 .LBB2_1-.Ltmp6, $2  }
0x15c: {  	_ =	sdelay $0x2  }
0x15d: {  	s9 =	simm.s32 $0x12280  }
0x15e: {  	_ =	sfence.sel $0x180000  }
0x15f: {  	[bflag:$0x0] =	sbarrier.arrive $0xFFFF  }
0x160: {  	_ =	strace $0x90000047  }
0x161: {  	s0 =	stileid.u32;
	[bflag:$0x2] =	sbarrier.arrive $0xFFFF  }
0x162: {  	p0 =	sne.s32 s0, $0x0;
	s0 =	rddreg [dreg:$0x4]  }
0x163: {  	s0 =	sadd.s32 @!p0 $0x100000, s0  }
0x164: {  	[sflag:s0] =	ssyncadd.tile.s32 @!p0 $0x1;
	_ =	shalt  }
.Lfunc_end2:
_tile_overlayer_lowered:
.L_overlay_start_2:
0x165: {  	(tag) =	ssettag $0x2  }
0x166: {  	s0 =	rddreg [dreg:$0x0];
	s2 =	stileid.u32  }
0x167: {  	s1 =	rddreg [dreg:$0x1];
	p0 =	sne.s32 s2, $0x0  }
0x168: {  	s3 =	rddreg [dreg:$0x2];
	[bflag:$0x3] =	sbarrier.arrive $0xFFFF;
	s2 =	simm.s32 @!p0 $0x1C03  }
0x169: {  	[timem:s3], [sflag:s2] =	dma.local @!p0 [hbm:s0], s1  }
0x16a: {  	s0 =	simm.s32 @!p0 $0x3  }
0x16b: {  	_ =	swait.ge @!p0 [sflag:s0], s1  }
0x16c: {  	s1 =	ssub.s32 @!p0 $0x0, s1;
	[sflag:s0] =	ssyncset.done @!p0 $0x0  }
0x16d: {  	[sflag:s0] =	ssyncadd.s32 @!p0 s1  }
0x16e: {  	[bflag:$0x3] =	sbarrier.arrive $0xFFFF  }
0x16f: {  	_ =	shalt  }

// kernel: sparse-core-data-format-call.cloned.1.call-start
scs
called_computation_lowered:
.L_overlay_start_0:
0x0: {  	s2 =	sld [smem:$0x3FD9]  }
0x1: {  	s3 =	sld [smem:$0x3FFE];
	_ =	sdelay $0x1  }
0x2: {  	s1 =	srdreg.scid  }
0x3: {  	s0 =	sand.u32 $0x1, s1  }
0x4: {  	s15 =	sshll.u32 s0, $0xA;
	s2 =	sadd.s32 s3, s2  }
0x5: {  	s2 =	sadd.s32 s2, s15  }
0x6: {  	[smem:$0x3FC2] =	sst s2  }
0x7: {  	_ = 	snop  }
0x8: {  	s2 =	sld [smem:$0x3FD0];
	_ =	sdelay $0x2  }
0x9: {  	s16 =	simm.s32 $0xA;
	s4 =	simm.s32 $0x10  }
0xa: {  	[smem:s4], [sflag:s16] =	dma.local [hbm:s2], $0x1  }
0xb: {  	_ =	swait.eq [sflag:s16], $0x1  }
0xc: {  	[sflag:s16] =	ssyncset.done $0x0  }
0xd: {  	[sflag:s16] =	ssyncadd.s32 $0xFFFFFFFF  }
0xe: {  	s17 =	sld [smem:$0x10];
	(tm) =	ssettm $0x1  }
0xf: {  	s18 =	sld [smem:$0x3FFB];
	_ =	sdelay $0x3  }
0x10: {  	_ =	strace s18  }
0x11: {  	s3 =	sld [smem:$0x3FFC];
	_ =	sdelay $0x3  }
0x12: {  	_ =	strace s3  }
0x13: {  	s3 =	sld [smem:$0x3FFD];
	_ =	sdelay $0x3  }
0x14: {  	_ =	strace s3  }
0x15: {  	_ =	strace $0x8FFFFFFF  }
0x16: {  	s19 =	sld [smem:$0x3FDB];
	_ =	sdelay $0x1  }
0x17: {  	s20 =	simm.s32 $_scs_section_size  }
0x18: {  	s5 =	simm.s32 $_size__tile_overlayer_lowered;
	s6 =	simm.s32 $_tile_overlayer_lowered  }
0x19: {  	s23 =	simm.s32 $0x1BFF;
	s22 =	sshll.u32 s6, $0x1;
	s3 =	sadd.s32 s20, s19  }
0x1a: {  	s7 =	simm.s32 $0x0;
	s21 =	sshll.u32 s5, $0x1;
	s5 =	sadd.s32 s22, s3  }
0x1b: {  	[timem:s7], [sflag:s23] =	dma.local [hbm:s5], s21  }
0x1c: {  	_ =	swait.ge [sflag:s23], s21  }
0x1d: {  	s4 =	ssub.s32 $0x0, s21;
	[sflag:s23] =	ssyncset.done $0x0  }
0x1e: {  	[sflag:s23] =	ssyncadd.s32 s4;
	_ =	sdelay $0x1  }
0x1f: {  	s24 =	simm.s32 $0x1B8B  }
0x20: {  	_ =	swait.ge [sflag:s24], $0x1  }
0x21: {  	[sflag:s24] =	ssyncset.done $0x0  }
0x22: {  	s26 =	simm.s32 $0x1B8E;
	s25 =	sld [smem:$0x3FFE];
	[sflag:s24] =	ssyncadd.s32 $0xFFFFFFFF  }
0x23: {  	s27 =	simm.s32 $execute0_lowered;
	[smem:$0x3FD2] =	sst s26  }
0x24: {  	s5 =	sshll.u32 s27, $0x1;
	_ =	strace $0x80000049;
	[dreg:$0x1] =	wrdreg $0xFFFFFFFF  }
0x25: {  	s28 =	simm.s32 $_size_execute0_lowered;
	s3 =	sadd.s32 s3, s5;
	[dreg:$0x0] =	wrdreg $0x0  }
0x26: {  	s5 =	sshll.u32 s28, $0x1;
	[dreg:$0x2] =	wrdreg s3  }
0x27: {  	[dreg:$0x3] =	wrdreg s5  }
0x28: {  	[dreg:$0x4] =	wrdreg $0xC0  }
0x29: {  	_ =	task [dreg:s7], $0x5FFFF  }
0x2a: {  	[dreg:$0x1] =	wrdreg $0xFFFFFFFF  }
0x2b: {  	[dreg:$0x0] =	wrdreg $0x60  }
0x2c: {  	[dreg:$0x2] =	wrdreg s25  }
0x2d: {  	[dreg:$0x3] =	wrdreg s17  }
0x2e: {  	[dreg:$0x4] =	wrdreg $0x9  }
0x2f: {  	_ =	task.clear_ibuf [dreg:s7], $0x5FFFF;
	_ =	strace $0x90000049  }
0x30: {  	s29 =	simm.s32 $0x9;
	_ =	strace $0x8000004B  }
0x31: {  	_ =	swait.ge [sflag:s29], $0x1  }
0x32: {  	[sflag:s29] =	ssyncadd.s32 $0xFFFFFFFF  }
0x33: {  	_ =	strace $0x9000004B  }
0x34: {  	_ =	sfence  }
0x35: {  	s30 =	sld [smem:$0x0];
	_ =	sdelay $0x2  }
0x36: {  	s31 =	sshll.u32 s1, $0xD;
	s1 =	sshrl.u32 s1, $0x2  }
0x37: {  	s3 =	sand.u32 $0x4000, s31;
	s1 =	sadd.s32 s1, s30  }
0x38: {  	s0 =	sor.u32 s3, s0;
	s1 =	sshll.u32 s1, $0x11  }
0x39: {  	s0 =	sor.u32 s1, s0  }
0x3a: {  	s0 =	sadd.s32 $0x8F2B, s0  }
0x3b: {  	[sflag:s0] =	ssyncadd.remote.s32 $0x1  }
0x3c: {  	_ =	sfence.sel $0xFFFF  }
0x3d: {  	[dreg:$0x0] =	wrdreg $0xFFFFFFFF;
	(pc) =	sbr.abs _section_cstart, $3  }
0x3e: {  	[dreg:$0x1] =	wrdreg $0xFFFFFFFF  }
0x3f: {  	_ =	task.clear_ibuf [dreg:s7], $0x2FFFF;
	_ =	strace $0x9FFFFFFF  }
0x40: {  	(tm) =	ssettm $0x7FFFFFFF  }
0x41: {  	_ =	shalt  }
tec
execute0_lowered:
.L_overlay_start_1:
0x0: {  	(tag) =	ssettag $0x1  }
0x1: {  	s0 =	srdreg.scid  }
0x2: {  	s1 =	sshll.u32 s0, $0x4  }
0x3: {  	s4 =	rddreg [dreg:$0x0];
	s0 =	stileid.u32;
	s1 =	sand.u32 $0x10, s1  }
0x4: {  	s2 =	rddreg [dreg:$0x1];
	s7 =	simm.s32 $0x1;
	s1 =	sor.u32 s0, s1  }
0x5: {  	s8 =	simm.s32 $0x2;
	s11 =	simm.s32 $0x0;
	s3 =	sshll.u32 s1, $0x7  }
0x6: {  	s10 =	simm.s32 $0x0;
	s4 =	sadd.s32 $0x7B000, s4;
	s6 =	ssub.s32 $0x186A00, s3  }
.Ltmp0:
0x7: {  	s1 =	rddreg [dreg:$0x2];
	s5 =	sand.u32 $0xF80, s6;
	(pc) =	sbr.rel .LBB1_1-.Ltmp0, $4  }
0x8: {  	_ =	strace $0x8000004A;
	s9 =	smov.u32 s3;
	p0 =	sne.s32 s5, $0x0  }
0x9: {  	s6 =	sshrl.u32 s6, $0xC;
	s5 =	simm.s32 $0x1;
	s7 =	simm.s32 @!p0 $0x0  }
0xa: {  	[sflag:s5] =	ssyncpa.u1 $0x0;
	p0 =	por $0x0, $0x0;
	s6 =	sadd.s32 s7, s6  }
0xb: {  	[sflag:s8] =	ssyncpa.u1 $0x0;
	s8 =	simm.s32 $0xC35000;
	s7 =	sadd.s32 $0x1, s6  }
.LBB1_4:
0xc: {  	s14 =	sshll.u32 s11, $0x3  }
0xd: {  	s14 =	sand.u32 $0xFFFFFC00, s14  }
0xe: {  	s15 =	sshrl.u32 s14, $0x9  }
0xf: {  	s15 =	smulhi.u32 $0xA7C5AD, s15;
	_ =	sdelay $0x1  }
0x10: {  	s15 =	sshrl.u32 s15, $0x3  }
0x11: {  	s28 =	sand.u32 $0x7F, s11;
	s16 =	smul.u32 $0x186A00, s15  }
0x12: {  	[tilespmem:s12+$0xFFFFFFFC ss:$0x81] =	vst.msk $0xffff, v0;
	s11 =	sor.u32 s28, s14  }
0x13: {  	[tilespmem:s12+$0xFFFFFFFD ss:$0x81] =	vst.msk $0xffff, v3;
	s29 =	sand.u32 $0xF, s15;
	s11 =	ssub.s32 s11, s16  }
0x14: {  	[tilespmem:s12+$0xFFFFFFFE ss:$0x81] =	vst.msk $0xffff, v1;
	s14 =	smul.u32 $0x30D40, s29;
	s30 =	sshrl.u32 s11, $0x3;
	s11 =	sand.u32 $0x7, s11  }
0x15: {  	[tilespmem:s12+$0xFFFFFFFF ss:$0x81] =	vst.msk $0xffff, v4;
	s15 =	sadd.s32 s2, s30;
	s11 =	sshll.u32 s11, $0x12  }
0x16: {  	[tilespmem:s12+$0xFFFFFFF9 ss:$0x81] =	vst.msk $0xffff, v2;
	s31 =	sadd.s32 s14, s15;
	s11 =	sor.u32 $0x400, s11  }
0x17: {  	[hbm4b:s31+s11] =	stream.strided.scatter [tilespmem:s13], [sflag:$0x2], $0x800, s8, s11, $0x20;
	[tilespmem:$0x2020] =	vst v63  }
.LBB1_5:
0x18: {  	s13 =	sadd.s32 $0x1000, s9  }
0x19: {  	p2 =	sgt.s32 s13, $0x1869FF  }
0x1a: {  	s13 =	smov.u32 @p2 s3;
	p2 =	sne.s32 s10, s7  }
.Ltmp1:
0x1b: {  	p1 =	slt.u32 s10, $0x2;
	(pc) =	sbr.rel @!p2 .LBB1_6-.Ltmp1, $4  }
0x1c: {  	s12 =	simm.s32 @!p1 $0x2  }
0x1d: {  	s14 =	sadd.s32 $0x1, s10;
	_ =	swait.ge @!p1 [sflag:s12], $0x800  }
0x1e: {  	s11 =	smov.u32 s9;
	p0 =	por !p0, !p0;
	[sflag:s12] =	ssyncset.done @!p1 $0x0  }
0x1f: {  	s10 =	smov.u32 s14;
	s9 =	smov.u32 s13;
	[sflag:s12] =	ssyncadd.s32 @!p1 $0xFFFFF800  }
.LBB1_1:
0x20: {  	p1 =	sge.u32 s10, s6  }
0x21: {  	s12 =	sand.u32 @!p1 $0x1FFFFFF, s9  }
0x22: {  	s13 =	smulhi.u32 @!p1 $0x14F8B59, s12;
	_ =	sdelay $0x1  }
0x23: {  	s13 =	sshrl.u32 @!p1 s13, $0xD  }
0x24: {  	s13 =	smul.u32 @!p1 $0x186A00, s13;
	_ =	sdelay $0x1  }
0x25: {  	s31 =	sadd.s32 $0xFFFFFFFF, s10;
	s14 =	sxor.u32 @!p1 $0xFFFFFFFF, s10;
	s12 =	ssub.s32 @!p1 s12, s13  }
0x26: {  	s15 =	simm.s32 @!p1 $0x80;
	s14 =	sshll.u32 @!p1 s14, $0xB;
	s12 =	sshll.u32 @!p1 s12, $0x4  }
0x27: {  	s13 =	sand.u32 @!p1 $0x800, s14;
	s14 =	simm.s32 @!p1 $0x10;
	s12 =	sadd.s32 @!p1 s4, s12  }
0x28: {  	[tilespmem:s13], [sflag:$0x1] =	stream.strided.gather @!p1 [hbm4b:s12+s14], $0x800, s15, s14, $0x38;
	[tilespmem:$0x2020] =	vst v63  }
0x29: {  	p1 =	sge.u32 s31, s6  }
.Ltmp2:
0x2a: {  	_ = 	snop;
	(pc) =	sbr.rel @p1 .LBB1_5-.Ltmp2, $1  }
0x2b: {  	_ =	sdelay $0x3  }
0x2c: {  	s12 =	simm.s32 $0x1  }
0x2d: {  	_ =	swait.ge [sflag:s5], $0x800;
	s12 =	simm.s32 @!p0 $0x0  }
0x2e: {  	[sflag:s5] =	ssyncset.done $0x0;
	s13 =	sshll.u32 s12, $0xB  }
0x2f: {  	[sflag:s5] =	ssyncadd.s32 $0xFFFFF800;
	s15 =	sor.u32 $0x40, s13  }
0x30: {  	v2 =	vld [tilespmem:s15+$0x30]  }
0x31: {  	s12 =	smul.u32 $0x2040, s12;
	v4 =	vld [tilespmem:s15+$0xFFFFFFD0]  }
0x32: {  	v5 =	vld [tilespmem:s15+$0xFFFFFFE0]  }
0x33: {  	s31 =	sand.u32 $0x1, s10;
	s12 =	sshrl.u32 s12, $0x2;
	v0 =	vld [tilespmem:s15+$0xFFFFFFF0]  }
0x34: {  	s13 =	smul.u32 $0x2040, s31;
	v3 =	vld [tilespmem:s15+$0x0];
	s12 =	sor.u32 $0x1007, s12  }
0x35: {  	v1 =	vld [tilespmem:s15+$0x10];
	[tilespmem:s12+$0x0 ss:$0x81] =	vst.msk $0xffff, v2  }
0x36: {  	s13 =	sshrl.u32 s13, $0x2;
	[tilespmem:s12+$0xFFFFFFFA ss:$0x81] =	vst.msk $0xffff, v4;
	v4 =	vld [tilespmem:s15+$0x20]  }
0x37: {  	s14 =	simm.s32 $0x0;
	s13 =	sor.u32 $0x1000, s13;
	v2 =	vld [tilespmem:s15+$0xFFFFFFC0];
	[tilespmem:s12+$0xFFFFFFFB ss:$0x81] =	vst.msk $0xffff, v5;
	s15 =	sadd.s32 $0x80, s15  }
.LBB1_3:
0x38: {  	v5 =	vld [tilespmem:s15+$0x30];
	s14 =	sadd.s32 $0x8, s14;
	[tilespmem:s12+$0xFFFFFFFC ss:$0x81] =	vst.msk $0xffff, v0  }
0x39: {  	v6 =	vld [tilespmem:s15+$0xFFFFFFD0];
	p1 =	slt.u32 s14, $0x78;
	[tilespmem:s12+$0xFFFFFFFD ss:$0x81] =	vst.msk $0xffff, v3  }
0x3a: {  	v7 =	vld [tilespmem:s15+$0xFFFFFFE0];
	[tilespmem:s12+$0xFFFFFFFE ss:$0x81] =	vst.msk $0xffff, v1  }
.Ltmp3:
0x3b: {  	v0 =	vld [tilespmem:s15+$0xFFFFFFF0];
	[tilespmem:s12+$0xFFFFFFFF ss:$0x81] =	vst.msk $0xffff, v4;
	(pc) =	sbr.rel @p1 .LBB1_3-.Ltmp3, $4  }
0x3c: {  	v3 =	vld [tilespmem:s15+$0x0];
	[tilespmem:s12+$0xFFFFFFF9 ss:$0x81] =	vst.msk $0xffff, v2;
	s12 =	sadd.s32 $0x8, s12  }
0x3d: {  	v1 =	vld [tilespmem:s15+$0x10];
	[tilespmem:s12+$0x0 ss:$0x81] =	vst.msk $0xffff, v5  }
0x3e: {  	[tilespmem:s12+$0xFFFFFFFA ss:$0x81] =	vst.msk $0xffff, v6;
	v4 =	vld [tilespmem:s15+$0x20]  }
0x3f: {  	v2 =	vld [tilespmem:s15+$0xFFFFFFC0];
	[tilespmem:s12+$0xFFFFFFFB ss:$0x81] =	vst.msk $0xffff, v7;
	s15 =	sadd.s32 $0x80, s15  }
.Ltmp4:
0x40: {  	_ = 	snop;
	(pc) =	sbr.rel .LBB1_4-.Ltmp4, $1  }
0x41: {  	_ =	sdelay $0x3  }
.LBB1_6:
0x42: {  	_ =	sfence.sel $0x180000  }
0x43: {  	s2 =	simm.s32 $0x1;
	[bflag:$0x0] =	sbarrier.arrive $0xFFFF  }
0x44: {  	s31 =	simm.s32 $0x2;
	[sflag:s2] =	ssyncpa.u1 $0x1  }
0x45: {  	[sflag:s31] =	ssyncpa.u1 $0x1  }
0x46: {  	p0 =	sne.s32 s0, $0x0;
	_ =	strace $0x9000004A  }
0x47: {  	s0 =	sadd.s32 @!p0 $0x100000, s1;
	[bflag:$0x2] =	sbarrier.arrive $0xFFFF  }
0x48: {  	[sflag:s0] =	ssyncadd.tile.s32 @!p0 $0x1;
	_ =	shalt  }
.Lfunc_end1:
_tile_overlayer_lowered:
.L_overlay_start_2:
0x49: {  	(tag) =	ssettag $0x2  }
0x4a: {  	s0 =	rddreg [dreg:$0x0];
	s2 =	stileid.u32  }
0x4b: {  	s1 =	rddreg [dreg:$0x1];
	p0 =	sne.s32 s2, $0x0  }
0x4c: {  	s3 =	rddreg [dreg:$0x2];
	[bflag:$0x3] =	sbarrier.arrive $0xFFFF;
	s2 =	simm.s32 @!p0 $0x1C01  }
0x4d: {  	[timem:s3], [sflag:s2] =	dma.local @!p0 [hbm:s0], s1  }
0x4e: {  	s0 =	simm.s32 @!p0 $0x1  }
0x4f: {  	_ =	swait.ge @!p0 [sflag:s0], s1  }
0x50: {  	s1 =	ssub.s32 @!p0 $0x0, s1;
	[sflag:s0] =	ssyncset.done @!p0 $0x0  }
0x51: {  	[sflag:s0] =	ssyncadd.s32 @!p0 s1  }
0x52: {  	[bflag:$0x3] =	sbarrier.arrive $0xFFFF  }
0x53: {  	_ =	shalt  }

</sc_bundles>
